<compile_context>
chip_gen: v7x
topology: tpu7x:2x2x1
jax: 0.10.2.dev20260603
libtpu: 0.0.44.dev20260713+nightly
codegen_flags: <defaults>
</compile_context>

<pallas_src>
import functools

import jax
import jax.numpy as jnp
from jax import lax
from jax.experimental import pallas as pl
from jax.experimental.pallas import tpu as pltpu
from jax.experimental.pallas import tpu_sc as plsc

N = 10000
E = 320000
D = 128
L = 16
NR = N // L
NC = 2
NS = 16
NW = NC * NS
K = 80
NB = E // (NW * K)
IDXC = 25
ROWS_PER_TILE = N // NS


def _prep_body(feat_ref, mask_ref, w_ref, attn_ref, gh_ref, p_ref):
    fm = feat_ref[...] * mask_ref[...]
    h = lax.dot_general(fm, w_ref[...], (((1,), (1,)), ((), ())),
                        preferred_element_type=jnp.float32)
    s = jnp.dot(h, attn_ref[...], preferred_element_type=jnp.float32)
    t = jnp.where(s > 0.0, s, s * 0.01)
    p = jnp.exp(t - jnp.max(t))
    gh_ref[...] = h * p
    p_ref[...] = p.reshape(NR, L)


_prep = pl.pallas_call(
    _prep_body,
    out_shape=(jax.ShapeDtypeStruct((N, D), jnp.float32),
               jax.ShapeDtypeStruct((NR, L), jnp.float32)),
)


def _final_body(acc_ref, accp_ref, o_ref):
    num = acc_ref[0] + acc_ref[1]
    den = accp_ref[0] + accp_ref[1]
    o_ref[...] = jnp.maximum(num / jnp.where(den > 0.0, den, 1.0), 0.0)


_final = pl.pallas_call(
    _final_body,
    out_shape=jax.ShapeDtypeStruct((N, D), jnp.float32),
)


@functools.partial(
    pl.kernel,
    out_type=(jax.ShapeDtypeStruct((NC, N, D), jnp.float32),
              jax.ShapeDtypeStruct((NC, NR, L), jnp.float32)),
    mesh=plsc.VectorSubcoreMesh(core_axis_name="c", subcore_axis_name="s"),
    scratch_types=[
        pltpu.VMEM((IDXC, K), jnp.int32),
        pltpu.VMEM((IDXC, K), jnp.int32),
        pltpu.VMEM((K, D), jnp.float32),
        pltpu.VMEM((K, D), jnp.float32),
        pltpu.VMEM((NR, L), jnp.float32),
        pltpu.VMEM((NR, L), jnp.float32),
        pltpu.VMEM((5, 125), jnp.int32),
        pltpu.VMEM_SHARED((N, D), jnp.float32),
        pltpu.VMEM_SHARED((NR, L), jnp.float32),
        pltpu.SemaphoreType.DMA,
        pltpu.SemaphoreType.DMA,
        pltpu.SemaphoreType.DMA,
        pltpu.SemaphoreType.DMA,
    ],
    compiler_params=pltpu.CompilerParams(use_tc_tiling_on_sc=False,
                                         needs_layout_passes=False),
)
def _edge_kernel(g_hbm, p_hbm, e_hbm, iota_hbm, out_hbm, outp_hbm,
                 sidx, didx, a0, a1, pv, den, iota, acc, accsh,
                 gsem0, gsem1, ssem0, ssem1):
    cid = lax.axis_index("c")
    sid = lax.axis_index("s")
    w = cid * NS + sid

    pltpu.sync_copy(p_hbm, pv)
    pltpu.sync_copy(iota_hbm, iota)

    @pl.loop(0, NR)
    def _zero_den(i):
        den[i, pl.ds(0, L)] = jnp.zeros((16,), jnp.float32)

    @pl.loop(0, K)
    def _zero_rows(i):
        @pl.loop(0, D, step=16)
        def _zero_lane(c):
            a0[i, pl.ds(c, 16)] = jnp.zeros((16,), jnp.float32)

    @pl.loop(0, 560, step=K)
    def _zero_acc(r):
        pltpu.sync_copy(a0, acc.at[pl.ds(sid * ROWS_PER_TILE + r, K)])
    pltpu.sync_copy(a0.at[pl.ds(0, 65)],
                    acc.at[pl.ds(sid * ROWS_PER_TILE + 560, 65)])

    @pl.when(sid == 0)
    def _zero_accsh():
        @pl.loop(0, 5)
        def _z5(c):
            pltpu.sync_copy(den.at[pl.ds(0, 125)],
                            accsh.at[pl.ds(c * 125, 125)])

    plsc.subcore_barrier()

    def _gather(i, buf, sem):
        pltpu.async_copy(g_hbm.at[sidx.at[i]], buf, sem)

    def _gather_wait(i, buf, sem):
        pltpu.make_async_copy(g_hbm.at[sidx.at[i]], buf, sem).wait()

    @pl.loop(0, NB // IDXC)
    def _chunk(c):
        pltpu.sync_copy(e_hbm.at[0, w, pl.ds(c * IDXC, IDXC)], sidx)
        pltpu.sync_copy(e_hbm.at[1, w, pl.ds(c * IDXC, IDXC)], didx)

        _gather(0, a0, gsem0)
        _gather(1, a1, gsem1)

        def _den_sweep(j):
            @pl.loop(0, K, step=16)
            def _denc(cc):
                sv = sidx[j, pl.ds(cc, 16)]
                dv = didx[j, pl.ds(cc, 16)]
                vals = plsc.load_gather(
                    pv, [lax.shift_right_logical(sv, 4),
                         lax.bitwise_and(sv, 15)])
                plsc.addupdate_scatter(
                    den, [lax.shift_right_logical(dv, 4),
                          lax.bitwise_and(dv, 15)], vals)

        @pl.loop(0, IDXC - 2, step=2)
        def _blk(i):
            _gather_wait(i, a0, gsem0)
            s0 = pltpu.async_copy(a0, acc.at[didx.at[i]], ssem0, add=True)
            _gather_wait(i + 1, a1, gsem1)
            s1 = pltpu.async_copy(a1, acc.at[didx.at[i + 1]], ssem1, add=True)
            s0.wait()

            @pl.when(i + 2 < IDXC)
            def _la0():
                _gather(i + 2, a0, gsem0)
            s1.wait()

            @pl.when(i + 3 < IDXC)
            def _la1():
                _gather(i + 3, a1, gsem1)

            _den_sweep(i)
            _den_sweep(i + 1)

        _gather_wait(IDXC - 1, a0, gsem0)
        pltpu.sync_copy(a0, acc.at[didx.at[IDXC - 1]], add=True)
        _den_sweep(IDXC - 1)

    @pl.loop(0, 5)
    def _merge(c):
        pltpu.sync_copy(den.at[pl.ds(c * 125, 125)],
                        accsh.at[iota.at[c]], add=True)

    plsc.subcore_barrier()
    row0 = sid * ROWS_PER_TILE
    pltpu.sync_copy(acc.at[pl.ds(row0, ROWS_PER_TILE)],
                    out_hbm.at[cid, pl.ds(row0, ROWS_PER_TILE)])

    @pl.when(sid == 0)
    def _out_den():
        pltpu.sync_copy(accsh, outp_hbm.at[cid])


def kernel(feat, edge_index, biclique_mask, W, attn_param):
    e4 = edge_index.astype(jnp.int32).reshape(2, NW, NB, K)
    iota = jnp.arange(NR, dtype=jnp.int32).reshape(5, 125)
    gh, p16 = _prep(feat, biclique_mask.reshape(1, D), W, attn_param)
    acc, accp = _edge_kernel(gh, p16, e4, iota)
    return _final(acc, accp.reshape(NC, N, 1))

# --- scband reference (transcript-rebuilt; emitter-appended) ---
"""Pipeline reference for scband-biclique-attention-layer-17197049053759 (READ-ONLY COPY).

The authoritative reference and input builder live on the scoring server;
editing this copy changes nothing except your own understanding.
"""

import jax, jax.numpy as jnp
import numpy as np

N_NODES = 10000
N_EDGES = 320000
IN_DIM = 128
OUT_DIM = 128


def setup_inputs(seed: int = 0) -> dict:
    key = jax.random.key(seed)
    k1, k2, k3, k4, k5 = jax.random.split(key, 5)
    feat = jax.random.normal(k1, (N_NODES, IN_DIM), dtype=jnp.float32)
    edge_index = jax.random.randint(k2, (2, N_EDGES), 0, N_NODES)
    biclique_mask = jax.random.uniform(k3, (IN_DIM,), dtype=jnp.float32)
    # nn.Linear(in_dim, out_dim, bias=False) weight: [out_dim, in_dim]
    W = jax.random.uniform(k4, (OUT_DIM, IN_DIM), dtype=jnp.float32,
                           minval=-1.0 / np.sqrt(IN_DIM), maxval=1.0 / np.sqrt(IN_DIM))
    # attn_param: [out_dim, 1], xavier_uniform with gain=1.414
    bound = 1.414 * np.sqrt(6.0 / (OUT_DIM + 1))
    attn_param = jax.random.uniform(k5, (OUT_DIM, 1), dtype=jnp.float32,
                                    minval=-bound, maxval=bound)
    return {"feat": feat, "edge_index": edge_index, "biclique_mask": biclique_mask,
            "W": W, "attn_param": attn_param}


def reference(feat, edge_index, biclique_mask, W, attn_param):
    src = edge_index[0]
    dst = edge_index[1]
    # feat_masked = feat * biclique_mask.unsqueeze(0)
    feat_masked = feat * biclique_mask[None, :]
    # h = self.linear(feat_masked)  (no bias)
    h = feat_masked @ W.T
    # per-edge score: leaky_relu((h[src] @ attn_param).squeeze(-1))
    score = jax.nn.leaky_relu((h[src] @ attn_param).squeeze(-1), negative_slope=0.01)
    # edge softmax grouped by destination node (dgl.softmax over dst)
    smax = jax.ops.segment_max(score, dst, num_segments=N_NODES)
    ex = jnp.exp(score - smax[dst])
    denom = jax.ops.segment_sum(ex, dst, num_segments=N_NODES)
    a = ex / denom[dst]
    # update_all: m = h[src] * a ; h_new = sum_m per dst
    m = h[src] * a[:, None]
    h_new = jax.ops.segment_sum(m, dst, num_segments=N_NODES)
    return jax.nn.relu(h_new)

if __name__ == "__main__":
    import jax
    _d = setup_inputs()
    print(jax.jit(kernel)(*tuple(_d.values())))

</pallas_src>

<mosaic_0001>
#map = affine_map<(d0, d1) -> (0, 0)>
#map1 = affine_map<(d0, d1) -> (0, 0, 0, 0)>
#map2 = affine_map<(d0, d1) -> (0, 0, 0)>
module attributes {stable_mosaic.version = 14 : i64} {
  func.func @_edge_kernel(%arg0: i32, %arg1: i32, %arg2: memref<10000x128xf32, #tpu.memory_space<hbm>>, %arg3: memref<625x16xf32, #tpu.memory_space<hbm>>, %arg4: memref<2x32x125x80xi32, #tpu.memory_space<hbm>>, %arg5: memref<5x125xi32, #tpu.memory_space<hbm>>, %arg6: memref<2x10000x128xf32, #tpu.memory_space<hbm>>, %arg7: memref<2x625x16xf32, #tpu.memory_space<hbm>>, %arg8: memref<25x80xi32, #tpu.memory_space<vmem>>, %arg9: memref<25x80xi32, #tpu.memory_space<vmem>>, %arg10: memref<80x128xf32, #tpu.memory_space<vmem>>, %arg11: memref<80x128xf32, #tpu.memory_space<vmem>>, %arg12: memref<625x16xf32, #tpu.memory_space<vmem>>, %arg13: memref<625x16xf32, #tpu.memory_space<vmem>>, %arg14: memref<5x125xi32, #tpu.memory_space<vmem>>, %arg15: memref<10000x128xf32, #tpu.memory_space<vmem_shared>>, %arg16: memref<625x16xf32, #tpu.memory_space<vmem_shared>>, %arg17: memref<!tpu.dma_semaphore, #tpu.memory_space<semaphore_mem>>, %arg18: memref<!tpu.dma_semaphore, #tpu.memory_space<semaphore_mem>>, %arg19: memref<!tpu.dma_semaphore, #tpu.memory_space<semaphore_mem>>, %arg20: memref<!tpu.dma_semaphore, #tpu.memory_space<semaphore_mem>>) attributes {dimension_semantics = [#tpu.dimension_semantics<core_parallel>, #tpu.dimension_semantics<subcore_parallel>], iteration_bounds = array<i64: 2, 16>, scalar_prefetch = 0 : i64, scratch_operands = 13 : i64, tpu.core_type = #tpu.core_type<sc_vector_subcore>, window_params = [{transform_indices = #map}, {transform_indices = #map}, {transform_indices = #map1}, {transform_indices = #map}, {transform_indices = #map2}, {transform_indices = #map2}]} {
    %mul3A = arith.constant 16 : i32
    %mul3A_0 = arith.muli %arg0, %mul3A : i32
    %add3A = arith.addi %mul3A_0, %arg1 : i32
    "tpu.region"() ({
      %run_scoped3A = tpu.sem_alloc : memref<!tpu.dma_semaphore, #tpu.memory_space<semaphore_mem>>
      tpu.enqueue_dma source(%arg3 : memref<625x16xf32, #tpu.memory_space<hbm>>) target(%arg12 : memref<625x16xf32, #tpu.memory_space<vmem>>) target_semaphore(%run_scoped3A : memref<!tpu.dma_semaphore, #tpu.memory_space<semaphore_mem>>)
      tpu.wait_dma2 semaphore(%run_scoped3A : memref<!tpu.dma_semaphore, #tpu.memory_space<semaphore_mem>>) src(%arg3 : memref<625x16xf32, #tpu.memory_space<hbm>>) dst(%arg12 : memref<625x16xf32, #tpu.memory_space<vmem>>)
      tpu.yield
    }) : () -> ()
    "tpu.region"() ({
      %run_scoped3A = tpu.sem_alloc : memref<!tpu.dma_semaphore, #tpu.memory_space<semaphore_mem>>
      tpu.enqueue_dma source(%arg5 : memref<5x125xi32, #tpu.memory_space<hbm>>) target(%arg14 : memref<5x125xi32, #tpu.memory_space<vmem>>) target_semaphore(%run_scoped3A : memref<!tpu.dma_semaphore, #tpu.memory_space<semaphore_mem>>)
      tpu.wait_dma2 semaphore(%run_scoped3A : memref<!tpu.dma_semaphore, #tpu.memory_space<semaphore_mem>>) src(%arg5 : memref<5x125xi32, #tpu.memory_space<hbm>>) dst(%arg14 : memref<5x125xi32, #tpu.memory_space<vmem>>)
      tpu.yield
    }) : () -> ()
    %scan3A = arith.constant 0 : i32
    %scan3A_1 = arith.constant 625 : i32
    %scan3A_2 = arith.addi %scan3A, %scan3A_1 : i32
    %scan3A_3 = arith.constant 1 : i32
    scf.for %scan3A_39 = %scan3A to %scan3A_2 step %scan3A_3  : i32 {
      %mul3A_40 = arith.constant 1 : i32
      %mul3A_41 = arith.muli %scan3A_39, %mul3A_40 : i32
      %add3A_42 = arith.constant 0 : i32
      %add3A_43 = arith.addi %add3A_42, %mul3A_41 : i32
      %broadcast_in_dim3A = arith.constant 0.000000e+00 : f32
      %broadcast_in_dim3A_44 = vector.broadcast %broadcast_in_dim3A : f32 to vector<16xf32>
      %swap3A = arith.index_cast %add3A_43 : i32 to index
      %swap3A_45 = arith.constant 0 : index
      %swap3A_46 = tpu.vector_load %arg13[%swap3A, %swap3A_45] {strides = array<i32>} : memref<625x16xf32, #tpu.memory_space<vmem>>, vector<16xf32>,
      tpu.vector_store %arg13[%swap3A, %swap3A_45], %broadcast_in_dim3A_44 {strides = array<i32>} : memref<625x16xf32, #tpu.memory_space<vmem>>, vector<16xf32>,
    }
    %scan3A_4 = arith.constant 625 : i32
    %scan3A_5 = arith.constant 0 : i32
    %scan3A_6 = arith.constant 80 : i32
    %scan3A_7 = arith.addi %scan3A_5, %scan3A_6 : i32
    %scan3A_8 = arith.constant 1 : i32
    scf.for %scan3A_39 = %scan3A_5 to %scan3A_7 step %scan3A_8  : i32 {
      %mul3A_40 = arith.constant 1 : i32
      %mul3A_41 = arith.muli %scan3A_39, %mul3A_40 : i32
      %add3A_42 = arith.constant 0 : i32
      %add3A_43 = arith.addi %add3A_42, %mul3A_41 : i32
      %scan3A_44 = arith.constant 0 : i32
      %scan3A_45 = arith.constant 8 : i32
      %scan3A_46 = arith.addi %scan3A_44, %scan3A_45 : i32
      %scan3A_47 = arith.constant 1 : i32
      scf.for %scan3A_49 = %scan3A_44 to %scan3A_46 step %scan3A_47  : i32 {
        %mul3A_50 = arith.constant 16 : i32
        %mul3A_51 = arith.muli %scan3A_49, %mul3A_50 : i32
        %add3A_52 = arith.constant 0 : i32
        %add3A_53 = arith.addi %add3A_52, %mul3A_51 : i32
        %broadcast_in_dim3A = arith.constant 0.000000e+00 : f32
        %broadcast_in_dim3A_54 = vector.broadcast %broadcast_in_dim3A : f32 to vector<16xf32>
        %swap3A = arith.index_cast %add3A_43 : i32 to index
        %swap3A_55 = arith.index_cast %add3A_53 : i32 to index
        %swap3A_56 = tpu.vector_load %arg10[%swap3A, %swap3A_55] {strides = array<i32>} : memref<80x128xf32, #tpu.memory_space<vmem>>, vector<16xf32>,
        tpu.vector_store %arg10[%swap3A, %swap3A_55], %broadcast_in_dim3A_54 {strides = array<i32>} : memref<80x128xf32, #tpu.memory_space<vmem>>, vector<16xf32>,
      }
      %scan3A_48 = arith.constant 8 : i32
    }
    %scan3A_9 = arith.constant 80 : i32
    %scan3A_10 = arith.constant 0 : i32
    %scan3A_11 = arith.constant 7 : i32
    %scan3A_12 = arith.addi %scan3A_10, %scan3A_11 : i32
    %scan3A_13 = arith.constant 1 : i32
    scf.for %scan3A_39 = %scan3A_10 to %scan3A_12 step %scan3A_13  : i32 {
      %mul3A_40 = arith.constant 80 : i32
      %mul3A_41 = arith.muli %scan3A_39, %mul3A_40 : i32
      %add3A_42 = arith.constant 0 : i32
      %add3A_43 = arith.addi %add3A_42, %mul3A_41 : i32
      %mul3A_44 = arith.constant 625 : i32
      %mul3A_45 = arith.muli %arg1, %mul3A_44 : i32
      %add3A_46 = arith.addi %mul3A_45, %add3A_43 : i32
      "tpu.region"() ({
        %run_scoped3A = tpu.sem_alloc : memref<!tpu.dma_semaphore, #tpu.memory_space<semaphore_mem>>
        %dma_start3A = arith.constant 0 : i32
        %dma_start3A_47 = tpu.memref_slice %arg15[%add3A_46, %dma_start3A] : memref<10000x128xf32, #tpu.memory_space<vmem_shared>> -> memref<80x128xf32, #tpu.memory_space<vmem_shared>>
        %dma_start3A_48 = arith.constant 0 : i32
        %dma_start3A_49 = tpu.memref_slice %arg15[%add3A_46, %dma_start3A_48] : memref<10000x128xf32, #tpu.memory_space<vmem_shared>> -> memref<80x128xf32, #tpu.memory_space<vmem_shared>>
        tpu.enqueue_dma source(%arg10 : memref<80x128xf32, #tpu.memory_space<vmem>>) target(%dma_start3A_49 : memref<80x128xf32, #tpu.memory_space<vmem_shared>>) target_semaphore(%run_scoped3A : memref<!tpu.dma_semaphore, #tpu.memory_space<semaphore_mem>>)
        %dma_wait3A = arith.constant 0 : i32
        %dma_wait3A_50 = tpu.memref_slice %arg15[%add3A_46, %dma_wait3A] : memref<10000x128xf32, #tpu.memory_space<vmem_shared>> -> memref<80x128xf32, #tpu.memory_space<vmem_shared>>
        %dma_wait3A_51 = arith.constant 0 : i32
        %dma_wait3A_52 = tpu.memref_slice %arg15[%add3A_46, %dma_wait3A_51] : memref<10000x128xf32, #tpu.memory_space<vmem_shared>> -> memref<80x128xf32, #tpu.memory_space<vmem_shared>>
        tpu.wait_dma2 semaphore(%run_scoped3A : memref<!tpu.dma_semaphore, #tpu.memory_space<semaphore_mem>>) src(%arg10 : memref<80x128xf32, #tpu.memory_space<vmem>>) dst(%dma_wait3A_52 : memref<80x128xf32, #tpu.memory_space<vmem_shared>>)
        tpu.yield
      }) : () -> ()
    }
    %scan3A_14 = arith.constant 7 : i32
    %mul3A_15 = arith.constant 625 : i32
    %mul3A_16 = arith.muli %arg1, %mul3A_15 : i32
    %add3A_17 = arith.constant 560 : i32
    %add3A_18 = arith.addi %mul3A_16, %add3A_17 : i32
    "tpu.region"() ({
      %run_scoped3A = tpu.sem_alloc : memref<!tpu.dma_semaphore, #tpu.memory_space<semaphore_mem>>
      %dma_start3A = arith.constant 0 : i32
      %dma_start3A_39 = arith.constant 0 : i32
      %dma_start3A_40 = tpu.memref_slice %arg10[%dma_start3A, %dma_start3A_39] : memref<80x128xf32, #tpu.memory_space<vmem>> -> memref<65x128xf32, #tpu.memory_space<vmem>>
      %dma_start3A_41 = arith.constant 0 : i32
      %dma_start3A_42 = tpu.memref_slice %arg15[%add3A_18, %dma_start3A_41] : memref<10000x128xf32, #tpu.memory_space<vmem_shared>> -> memref<65x128xf32, #tpu.memory_space<vmem_shared>>
      %dma_start3A_43 = arith.constant 0 : i32
      %dma_start3A_44 = tpu.memref_slice %arg15[%add3A_18, %dma_start3A_43] : memref<10000x128xf32, #tpu.memory_space<vmem_shared>> -> memref<65x128xf32, #tpu.memory_space<vmem_shared>>
      %dma_start3A_45 = arith.constant 0 : i32
      %dma_start3A_46 = arith.constant 0 : i32
      %dma_start3A_47 = tpu.memref_slice %arg10[%dma_start3A_45, %dma_start3A_46] : memref<80x128xf32, #tpu.memory_space<vmem>> -> memref<65x128xf32, #tpu.memory_space<vmem>>
      tpu.enqueue_dma source(%dma_start3A_47 : memref<65x128xf32, #tpu.memory_space<vmem>>) target(%dma_start3A_44 : memref<65x128xf32, #tpu.memory_space<vmem_shared>>) target_semaphore(%run_scoped3A : memref<!tpu.dma_semaphore, #tpu.memory_space<semaphore_mem>>)
      %dma_wait3A = arith.constant 0 : i32
      %dma_wait3A_48 = arith.constant 0 : i32
      %dma_wait3A_49 = tpu.memref_slice %arg10[%dma_wait3A, %dma_wait3A_48] : memref<80x128xf32, #tpu.memory_space<vmem>> -> memref<65x128xf32, #tpu.memory_space<vmem>>
      %dma_wait3A_50 = arith.constant 0 : i32
      %dma_wait3A_51 = tpu.memref_slice %arg15[%add3A_18, %dma_wait3A_50] : memref<10000x128xf32, #tpu.memory_space<vmem_shared>> -> memref<65x128xf32, #tpu.memory_space<vmem_shared>>
      %dma_wait3A_52 = arith.constant 0 : i32
      %dma_wait3A_53 = tpu.memref_slice %arg15[%add3A_18, %dma_wait3A_52] : memref<10000x128xf32, #tpu.memory_space<vmem_shared>> -> memref<65x128xf32, #tpu.memory_space<vmem_shared>>
      %dma_wait3A_54 = arith.constant 0 : i32
      %dma_wait3A_55 = arith.constant 0 : i32
      %dma_wait3A_56 = tpu.memref_slice %arg10[%dma_wait3A_54, %dma_wait3A_55] : memref<80x128xf32, #tpu.memory_space<vmem>> -> memref<65x128xf32, #tpu.memory_space<vmem>>
      tpu.wait_dma2 semaphore(%run_scoped3A : memref<!tpu.dma_semaphore, #tpu.memory_space<semaphore_mem>>) src(%dma_wait3A_56 : memref<65x128xf32, #tpu.memory_space<vmem>>) dst(%dma_wait3A_53 : memref<65x128xf32, #tpu.memory_space<vmem_shared>>)
      tpu.yield
    }) : () -> ()
    %eq3A = arith.constant 0 : i32
    %eq3A_19 = arith.cmpi eq, %arg1, %eq3A : i32
    %convert_element_type3A = arith.extui %eq3A_19 : i1 to i32
    %cond3A = arith.constant 0 : i32
    %cond3A_20 = arith.cmpi ne, %convert_element_type3A, %cond3A : i32
    scf.if %cond3A_20 {
      %scan3A_39 = arith.constant 0 : i32
      %scan3A_40 = arith.constant 5 : i32
      %scan3A_41 = arith.addi %scan3A_39, %scan3A_40 : i32
      %scan3A_42 = arith.constant 1 : i32
      scf.for %scan3A_44 = %scan3A_39 to %scan3A_41 step %scan3A_42  : i32 {
        %mul3A_45 = arith.constant 1 : i32
        %mul3A_46 = arith.muli %scan3A_44, %mul3A_45 : i32
        %add3A_47 = arith.constant 0 : i32
        %add3A_48 = arith.addi %add3A_47, %mul3A_46 : i32
        %mul3A_49 = arith.constant 125 : i32
        %mul3A_50 = arith.muli %add3A_48, %mul3A_49 : i32
        "tpu.region"() ({
          %run_scoped3A = tpu.sem_alloc : memref<!tpu.dma_semaphore, #tpu.memory_space<semaphore_mem>>
          %dma_start3A = arith.constant 0 : i32
          %dma_start3A_51 = arith.constant 0 : i32
          %dma_start3A_52 = tpu.memref_slice %arg13[%dma_start3A, %dma_start3A_51] : memref<625x16xf32, #tpu.memory_space<vmem>> -> memref<125x16xf32, #tpu.memory_space<vmem>>
          %dma_start3A_53 = arith.constant 0 : i32
          %dma_start3A_54 = tpu.memref_slice %arg16[%mul3A_50, %dma_start3A_53] : memref<625x16xf32, #tpu.memory_space<vmem_shared>> -> memref<125x16xf32, #tpu.memory_space<vmem_shared>>
          %dma_start3A_55 = arith.constant 0 : i32
          %dma_start3A_56 = tpu.memref_slice %arg16[%mul3A_50, %dma_start3A_55] : memref<625x16xf32, #tpu.memory_space<vmem_shared>> -> memref<125x16xf32, #tpu.memory_space<vmem_shared>>
          %dma_start3A_57 = arith.constant 0 : i32
          %dma_start3A_58 = arith.constant 0 : i32
          %dma_start3A_59 = tpu.memref_slice %arg13[%dma_start3A_57, %dma_start3A_58] : memref<625x16xf32, #tpu.memory_space<vmem>> -> memref<125x16xf32, #tpu.memory_space<vmem>>
          tpu.enqueue_dma source(%dma_start3A_59 : memref<125x16xf32, #tpu.memory_space<vmem>>) target(%dma_start3A_56 : memref<125x16xf32, #tpu.memory_space<vmem_shared>>) target_semaphore(%run_scoped3A : memref<!tpu.dma_semaphore, #tpu.memory_space<semaphore_mem>>)
          %dma_wait3A = arith.constant 0 : i32
          %dma_wait3A_60 = arith.constant 0 : i32
          %dma_wait3A_61 = tpu.memref_slice %arg13[%dma_wait3A, %dma_wait3A_60] : memref<625x16xf32, #tpu.memory_space<vmem>> -> memref<125x16xf32, #tpu.memory_space<vmem>>
          %dma_wait3A_62 = arith.constant 0 : i32
          %dma_wait3A_63 = tpu.memref_slice %arg16[%mul3A_50, %dma_wait3A_62] : memref<625x16xf32, #tpu.memory_space<vmem_shared>> -> memref<125x16xf32, #tpu.memory_space<vmem_shared>>
          %dma_wait3A_64 = arith.constant 0 : i32
          %dma_wait3A_65 = tpu.memref_slice %arg16[%mul3A_50, %dma_wait3A_64] : memref<625x16xf32, #tpu.memory_space<vmem_shared>> -> memref<125x16xf32, #tpu.memory_space<vmem_shared>>
          %dma_wait3A_66 = arith.constant 0 : i32
          %dma_wait3A_67 = arith.constant 0 : i32
          %dma_wait3A_68 = tpu.memref_slice %arg13[%dma_wait3A_66, %dma_wait3A_67] : memref<625x16xf32, #tpu.memory_space<vmem>> -> memref<125x16xf32, #tpu.memory_space<vmem>>
          tpu.wait_dma2 semaphore(%run_scoped3A : memref<!tpu.dma_semaphore, #tpu.memory_space<semaphore_mem>>) src(%dma_wait3A_68 : memref<125x16xf32, #tpu.memory_space<vmem>>) dst(%dma_wait3A_65 : memref<125x16xf32, #tpu.memory_space<vmem_shared>>)
          tpu.yield
        }) : () -> ()
      }
      %scan3A_43 = arith.constant 5 : i32
    } else {
    }
    %barrier3A = arith.constant 0 : index
    tpu.barrier barrier_id(%barrier3A)
    %scan3A_21 = arith.constant 0 : i32
    %scan3A_22 = arith.constant 5 : i32
    %scan3A_23 = arith.addi %scan3A_21, %scan3A_22 : i32
    %scan3A_24 = arith.constant 1 : i32
    scf.for %scan3A_39 = %scan3A_21 to %scan3A_23 step %scan3A_24  : i32 {
      %mul3A_40 = arith.constant 1 : i32
      %mul3A_41 = arith.muli %scan3A_39, %mul3A_40 : i32
      %add3A_42 = arith.constant 0 : i32
      %add3A_43 = arith.addi %add3A_42, %mul3A_41 : i32
      %mul3A_44 = arith.constant 25 : i32
      %mul3A_45 = arith.muli %add3A_43, %mul3A_44 : i32
      %run_scoped3A = arith.constant 0 : i32
      "tpu.region"() ({
        %run_scoped3A_79 = tpu.sem_alloc : memref<!tpu.dma_semaphore, #tpu.memory_space<semaphore_mem>>
        %dma_start3A_80 = arith.constant 0 : i32
        %dma_start3A_81 = tpu.memref_slice %arg4[%run_scoped3A, %add3A, %mul3A_45, %dma_start3A_80] : memref<2x32x125x80xi32, #tpu.memory_space<hbm>> -> memref<1x1x25x80xi32, #tpu.memory_space<hbm>>
        %dma_start3A_82 = tpu.memref_squeeze %dma_start3A_81 : memref<1x1x25x80xi32, #tpu.memory_space<hbm>> -> memref<25x80xi32, #tpu.memory_space<hbm>>
        %dma_start3A_83 = arith.constant 0 : i32
        %dma_start3A_84 = tpu.memref_slice %arg4[%run_scoped3A, %add3A, %mul3A_45, %dma_start3A_83] : memref<2x32x125x80xi32, #tpu.memory_space<hbm>> -> memref<1x1x25x80xi32, #tpu.memory_space<hbm>>
        %dma_start3A_85 = tpu.memref_squeeze %dma_start3A_84 : memref<1x1x25x80xi32, #tpu.memory_space<hbm>> -> memref<25x80xi32, #tpu.memory_space<hbm>>
        tpu.enqueue_dma source(%dma_start3A_85 : memref<25x80xi32, #tpu.memory_space<hbm>>) target(%arg8 : memref<25x80xi32, #tpu.memory_space<vmem>>) target_semaphore(%run_scoped3A_79 : memref<!tpu.dma_semaphore, #tpu.memory_space<semaphore_mem>>)
        %dma_wait3A_86 = arith.constant 0 : i32
        %dma_wait3A_87 = tpu.memref_slice %arg4[%run_scoped3A, %add3A, %mul3A_45, %dma_wait3A_86] : memref<2x32x125x80xi32, #tpu.memory_space<hbm>> -> memref<1x1x25x80xi32, #tpu.memory_space<hbm>>
        %dma_wait3A_88 = tpu.memref_squeeze %dma_wait3A_87 : memref<1x1x25x80xi32, #tpu.memory_space<hbm>> -> memref<25x80xi32, #tpu.memory_space<hbm>>
        %dma_wait3A_89 = arith.constant 0 : i32
        %dma_wait3A_90 = tpu.memref_slice %arg4[%run_scoped3A, %add3A, %mul3A_45, %dma_wait3A_89] : memref<2x32x125x80xi32, #tpu.memory_space<hbm>> -> memref<1x1x25x80xi32, #tpu.memory_space<hbm>>
        %dma_wait3A_91 = tpu.memref_squeeze %dma_wait3A_90 : memref<1x1x25x80xi32, #tpu.memory_space<hbm>> -> memref<25x80xi32, #tpu.memory_space<hbm>>
        tpu.wait_dma2 semaphore(%run_scoped3A_79 : memref<!tpu.dma_semaphore, #tpu.memory_space<semaphore_mem>>) src(%dma_wait3A_91 : memref<25x80xi32, #tpu.memory_space<hbm>>) dst(%arg8 : memref<25x80xi32, #tpu.memory_space<vmem>>)
        tpu.yield
      }) : () -> ()
      %mul3A_46 = arith.constant 25 : i32
      %mul3A_47 = arith.muli %add3A_43, %mul3A_46 : i32
      %run_scoped3A_48 = arith.constant 1 : i32
      "tpu.region"() ({
        %run_scoped3A_79 = tpu.sem_alloc : memref<!tpu.dma_semaphore, #tpu.memory_space<semaphore_mem>>
        %dma_start3A_80 = arith.constant 0 : i32
        %dma_start3A_81 = tpu.memref_slice %arg4[%run_scoped3A_48, %add3A, %mul3A_47, %dma_start3A_80] : memref<2x32x125x80xi32, #tpu.memory_space<hbm>> -> memref<1x1x25x80xi32, #tpu.memory_space<hbm>>
        %dma_start3A_82 = tpu.memref_squeeze %dma_start3A_81 : memref<1x1x25x80xi32, #tpu.memory_space<hbm>> -> memref<25x80xi32, #tpu.memory_space<hbm>>
        %dma_start3A_83 = arith.constant 0 : i32
        %dma_start3A_84 = tpu.memref_slice %arg4[%run_scoped3A_48, %add3A, %mul3A_47, %dma_start3A_83] : memref<2x32x125x80xi32, #tpu.memory_space<hbm>> -> memref<1x1x25x80xi32, #tpu.memory_space<hbm>>
        %dma_start3A_85 = tpu.memref_squeeze %dma_start3A_84 : memref<1x1x25x80xi32, #tpu.memory_space<hbm>> -> memref<25x80xi32, #tpu.memory_space<hbm>>
        tpu.enqueue_dma source(%dma_start3A_85 : memref<25x80xi32, #tpu.memory_space<hbm>>) target(%arg9 : memref<25x80xi32, #tpu.memory_space<vmem>>) target_semaphore(%run_scoped3A_79 : memref<!tpu.dma_semaphore, #tpu.memory_space<semaphore_mem>>)
        %dma_wait3A_86 = arith.constant 0 : i32
        %dma_wait3A_87 = tpu.memref_slice %arg4[%run_scoped3A_48, %add3A, %mul3A_47, %dma_wait3A_86] : memref<2x32x125x80xi32, #tpu.memory_space<hbm>> -> memref<1x1x25x80xi32, #tpu.memory_space<hbm>>
        %dma_wait3A_88 = tpu.memref_squeeze %dma_wait3A_87 : memref<1x1x25x80xi32, #tpu.memory_space<hbm>> -> memref<25x80xi32, #tpu.memory_space<hbm>>
        %dma_wait3A_89 = arith.constant 0 : i32
        %dma_wait3A_90 = tpu.memref_slice %arg4[%run_scoped3A_48, %add3A, %mul3A_47, %dma_wait3A_89] : memref<2x32x125x80xi32, #tpu.memory_space<hbm>> -> memref<1x1x25x80xi32, #tpu.memory_space<hbm>>
        %dma_wait3A_91 = tpu.memref_squeeze %dma_wait3A_90 : memref<1x1x25x80xi32, #tpu.memory_space<hbm>> -> memref<25x80xi32, #tpu.memory_space<hbm>>
        tpu.wait_dma2 semaphore(%run_scoped3A_79 : memref<!tpu.dma_semaphore, #tpu.memory_space<semaphore_mem>>) src(%dma_wait3A_91 : memref<25x80xi32, #tpu.memory_space<hbm>>) dst(%arg9 : memref<25x80xi32, #tpu.memory_space<vmem>>)
        tpu.yield
      }) : () -> ()
      %dma_start3A = arith.constant 0 : i32
      %dma_start3A_49 = arith.constant 0 : i32
      %dma_start3A_50 = tpu.memref_slice %arg8[%dma_start3A, %dma_start3A_49] : memref<25x80xi32, #tpu.memory_space<vmem>> -> memref<1x80xi32, #tpu.memory_space<vmem>>
      %dma_start3A_51 = tpu.memref_squeeze %dma_start3A_50 : memref<1x80xi32, #tpu.memory_space<vmem>> -> memref<80xi32, #tpu.memory_space<vmem>>
      %dma_start3A_52 = arith.constant 0 : i32
      %dma_start3A_53 = arith.constant 0 : i32
      %dma_start3A_54 = tpu.memref_slice %arg2[%dma_start3A_52, %dma_start3A_53] : memref<10000x128xf32, #tpu.memory_space<hbm>> -> memref<10000x128xf32, #tpu.memory_space<hbm>>
      tpu.enqueue_indirect_dma source(%dma_start3A_54 : memref<10000x128xf32, #tpu.memory_space<hbm>>) target(%arg10 : memref<80x128xf32, #tpu.memory_space<vmem>>) offsets(%dma_start3A_51 : memref<80xi32, #tpu.memory_space<vmem>>) semaphore(%arg17 : memref<!tpu.dma_semaphore, #tpu.memory_space<semaphore_mem>>)
      %dma_start3A_55 = arith.constant 1 : i32
      %dma_start3A_56 = arith.constant 0 : i32
      %dma_start3A_57 = tpu.memref_slice %arg8[%dma_start3A_55, %dma_start3A_56] : memref<25x80xi32, #tpu.memory_space<vmem>> -> memref<1x80xi32, #tpu.memory_space<vmem>>
      %dma_start3A_58 = tpu.memref_squeeze %dma_start3A_57 : memref<1x80xi32, #tpu.memory_space<vmem>> -> memref<80xi32, #tpu.memory_space<vmem>>
      %dma_start3A_59 = arith.constant 0 : i32
      %dma_start3A_60 = arith.constant 0 : i32
      %dma_start3A_61 = tpu.memref_slice %arg2[%dma_start3A_59, %dma_start3A_60] : memref<10000x128xf32, #tpu.memory_space<hbm>> -> memref<10000x128xf32, #tpu.memory_space<hbm>>
      tpu.enqueue_indirect_dma source(%dma_start3A_61 : memref<10000x128xf32, #tpu.memory_space<hbm>>) target(%arg11 : memref<80x128xf32, #tpu.memory_space<vmem>>) offsets(%dma_start3A_58 : memref<80xi32, #tpu.memory_space<vmem>>) semaphore(%arg18 : memref<!tpu.dma_semaphore, #tpu.memory_space<semaphore_mem>>)
      %scan3A_62 = arith.constant 0 : i32
      %scan3A_63 = arith.constant 12 : i32
      %scan3A_64 = arith.addi %scan3A_62, %scan3A_63 : i32
      %scan3A_65 = arith.constant 1 : i32
      scf.for %scan3A_79 = %scan3A_62 to %scan3A_64 step %scan3A_65  : i32 {
        %mul3A_80 = arith.constant 2 : i32
        %mul3A_81 = arith.muli %scan3A_79, %mul3A_80 : i32
        %add3A_82 = arith.constant 0 : i32
        %add3A_83 = arith.addi %add3A_82, %mul3A_81 : i32
        %dma_wait3A_84 = arith.constant 0 : i32
        %dma_wait3A_85 = tpu.memref_slice %arg8[%add3A_83, %dma_wait3A_84] : memref<25x80xi32, #tpu.memory_space<vmem>> -> memref<1x80xi32, #tpu.memory_space<vmem>>
        %dma_wait3A_86 = tpu.memref_squeeze %dma_wait3A_85 : memref<1x80xi32, #tpu.memory_space<vmem>> -> memref<80xi32, #tpu.memory_space<vmem>>
        %dma_wait3A_87 = arith.constant 0 : i32
        %dma_wait3A_88 = arith.constant 0 : i32
        %dma_wait3A_89 = tpu.memref_slice %arg2[%dma_wait3A_87, %dma_wait3A_88] : memref<10000x128xf32, #tpu.memory_space<hbm>> -> memref<10000x128xf32, #tpu.memory_space<hbm>>
        tpu.wait_indirect_dma semaphore(%arg17 : memref<!tpu.dma_semaphore, #tpu.memory_space<semaphore_mem>>) src(%dma_wait3A_89 : memref<10000x128xf32, #tpu.memory_space<hbm>>) dst(%arg10 : memref<80x128xf32, #tpu.memory_space<vmem>>)
        %dma_start3A_90 = arith.constant 0 : i32
        %dma_start3A_91 = tpu.memref_slice %arg9[%add3A_83, %dma_start3A_90] : memref<25x80xi32, #tpu.memory_space<vmem>> -> memref<1x80xi32, #tpu.memory_space<vmem>>
        %dma_start3A_92 = tpu.memref_squeeze %dma_start3A_91 : memref<1x80xi32, #tpu.memory_space<vmem>> -> memref<80xi32, #tpu.memory_space<vmem>>
        %dma_start3A_93 = arith.constant 0 : i32
        %dma_start3A_94 = arith.constant 0 : i32
        %dma_start3A_95 = tpu.memref_slice %arg15[%dma_start3A_93, %dma_start3A_94] : memref<10000x128xf32, #tpu.memory_space<vmem_shared>> -> memref<10000x128xf32, #tpu.memory_space<vmem_shared>>
        tpu.enqueue_indirect_dma source(%arg10 : memref<80x128xf32, #tpu.memory_space<vmem>>) target(%dma_start3A_95 : memref<10000x128xf32, #tpu.memory_space<vmem_shared>>) offsets(%dma_start3A_92 : memref<80xi32, #tpu.memory_space<vmem>>) semaphore(%arg19 : memref<!tpu.dma_semaphore, #tpu.memory_space<semaphore_mem>>) {add = true}
        %add3A_96 = arith.constant 1 : i32
        %add3A_97 = arith.addi %add3A_83, %add3A_96 : i32
        %dma_wait3A_98 = arith.constant 0 : i32
        %dma_wait3A_99 = tpu.memref_slice %arg8[%add3A_97, %dma_wait3A_98] : memref<25x80xi32, #tpu.memory_space<vmem>> -> memref<1x80xi32, #tpu.memory_space<vmem>>
        %dma_wait3A_100 = tpu.memref_squeeze %dma_wait3A_99 : memref<1x80xi32, #tpu.memory_space<vmem>> -> memref<80xi32, #tpu.memory_space<vmem>>
        %dma_wait3A_101 = arith.constant 0 : i32
        %dma_wait3A_102 = arith.constant 0 : i32
        %dma_wait3A_103 = tpu.memref_slice %arg2[%dma_wait3A_101, %dma_wait3A_102] : memref<10000x128xf32, #tpu.memory_space<hbm>> -> memref<10000x128xf32, #tpu.memory_space<hbm>>
        tpu.wait_indirect_dma semaphore(%arg18 : memref<!tpu.dma_semaphore, #tpu.memory_space<semaphore_mem>>) src(%dma_wait3A_103 : memref<10000x128xf32, #tpu.memory_space<hbm>>) dst(%arg11 : memref<80x128xf32, #tpu.memory_space<vmem>>)
        %add3A_104 = arith.constant 1 : i32
        %add3A_105 = arith.addi %add3A_83, %add3A_104 : i32
        %dma_start3A_106 = arith.constant 0 : i32
        %dma_start3A_107 = tpu.memref_slice %arg9[%add3A_105, %dma_start3A_106] : memref<25x80xi32, #tpu.memory_space<vmem>> -> memref<1x80xi32, #tpu.memory_space<vmem>>
        %dma_start3A_108 = tpu.memref_squeeze %dma_start3A_107 : memref<1x80xi32, #tpu.memory_space<vmem>> -> memref<80xi32, #tpu.memory_space<vmem>>
        %dma_start3A_109 = arith.constant 0 : i32
        %dma_start3A_110 = arith.constant 0 : i32
        %dma_start3A_111 = tpu.memref_slice %arg15[%dma_start3A_109, %dma_start3A_110] : memref<10000x128xf32, #tpu.memory_space<vmem_shared>> -> memref<10000x128xf32, #tpu.memory_space<vmem_shared>>
        tpu.enqueue_indirect_dma source(%arg11 : memref<80x128xf32, #tpu.memory_space<vmem>>) target(%dma_start3A_111 : memref<10000x128xf32, #tpu.memory_space<vmem_shared>>) offsets(%dma_start3A_108 : memref<80xi32, #tpu.memory_space<vmem>>) semaphore(%arg20 : memref<!tpu.dma_semaphore, #tpu.memory_space<semaphore_mem>>) {add = true}
        %dma_wait3A_112 = arith.constant 0 : i32
        %dma_wait3A_113 = tpu.memref_slice %arg9[%add3A_83, %dma_wait3A_112] : memref<25x80xi32, #tpu.memory_space<vmem>> -> memref<1x80xi32, #tpu.memory_space<vmem>>
        %dma_wait3A_114 = tpu.memref_squeeze %dma_wait3A_113 : memref<1x80xi32, #tpu.memory_space<vmem>> -> memref<80xi32, #tpu.memory_space<vmem>>
        %dma_wait3A_115 = arith.constant 0 : i32
        %dma_wait3A_116 = arith.constant 0 : i32
        %dma_wait3A_117 = tpu.memref_slice %arg15[%dma_wait3A_115, %dma_wait3A_116] : memref<10000x128xf32, #tpu.memory_space<vmem_shared>> -> memref<10000x128xf32, #tpu.memory_space<vmem_shared>>
        tpu.wait_indirect_dma semaphore(%arg19 : memref<!tpu.dma_semaphore, #tpu.memory_space<semaphore_mem>>) src(%arg10 : memref<80x128xf32, #tpu.memory_space<vmem>>) dst(%dma_wait3A_117 : memref<10000x128xf32, #tpu.memory_space<vmem_shared>>)
        %add3A_118 = arith.constant 2 : i32
        %add3A_119 = arith.addi %add3A_83, %add3A_118 : i32
        %lt3A = arith.constant 25 : i32
        %lt3A_120 = arith.cmpi slt, %add3A_119, %lt3A : i32
        %convert_element_type3A_121 = arith.extui %lt3A_120 : i1 to i32
        %cond3A_122 = arith.constant 0 : i32
        %cond3A_123 = arith.cmpi ne, %convert_element_type3A_121, %cond3A_122 : i32
        scf.if %cond3A_123 {
          %add3A_149 = arith.constant 2 : i32
          %add3A_150 = arith.addi %add3A_83, %add3A_149 : i32
          %dma_start3A_151 = arith.constant 0 : i32
          %dma_start3A_152 = tpu.memref_slice %arg8[%add3A_150, %dma_start3A_151] : memref<25x80xi32, #tpu.memory_space<vmem>> -> memref<1x80xi32, #tpu.memory_space<vmem>>
          %dma_start3A_153 = tpu.memref_squeeze %dma_start3A_152 : memref<1x80xi32, #tpu.memory_space<vmem>> -> memref<80xi32, #tpu.memory_space<vmem>>
          %dma_start3A_154 = arith.constant 0 : i32
          %dma_start3A_155 = arith.constant 0 : i32
          %dma_start3A_156 = tpu.memref_slice %arg2[%dma_start3A_154, %dma_start3A_155] : memref<10000x128xf32, #tpu.memory_space<hbm>> -> memref<10000x128xf32, #tpu.memory_space<hbm>>
          tpu.enqueue_indirect_dma source(%dma_start3A_156 : memref<10000x128xf32, #tpu.memory_space<hbm>>) target(%arg10 : memref<80x128xf32, #tpu.memory_space<vmem>>) offsets(%dma_start3A_153 : memref<80xi32, #tpu.memory_space<vmem>>) semaphore(%arg17 : memref<!tpu.dma_semaphore, #tpu.memory_space<semaphore_mem>>)
        } else {
        }
        %dma_wait3A_124 = arith.constant 0 : i32
        %dma_wait3A_125 = tpu.memref_slice %arg9[%add3A_105, %dma_wait3A_124] : memref<25x80xi32, #tpu.memory_space<vmem>> -> memref<1x80xi32, #tpu.memory_space<vmem>>
        %dma_wait3A_126 = tpu.memref_squeeze %dma_wait3A_125 : memref<1x80xi32, #tpu.memory_space<vmem>> -> memref<80xi32, #tpu.memory_space<vmem>>
        %dma_wait3A_127 = arith.constant 0 : i32
        %dma_wait3A_128 = arith.constant 0 : i32
        %dma_wait3A_129 = tpu.memref_slice %arg15[%dma_wait3A_127, %dma_wait3A_128] : memref<10000x128xf32, #tpu.memory_space<vmem_shared>> -> memref<10000x128xf32, #tpu.memory_space<vmem_shared>>
        tpu.wait_indirect_dma semaphore(%arg20 : memref<!tpu.dma_semaphore, #tpu.memory_space<semaphore_mem>>) src(%arg11 : memref<80x128xf32, #tpu.memory_space<vmem>>) dst(%dma_wait3A_129 : memref<10000x128xf32, #tpu.memory_space<vmem_shared>>)
        %add3A_130 = arith.constant 3 : i32
        %add3A_131 = arith.addi %add3A_83, %add3A_130 : i32
        %lt3A_132 = arith.constant 25 : i32
        %lt3A_133 = arith.cmpi slt, %add3A_131, %lt3A_132 : i32
        %convert_element_type3A_134 = arith.extui %lt3A_133 : i1 to i32
        %cond3A_135 = arith.constant 0 : i32
        %cond3A_136 = arith.cmpi ne, %convert_element_type3A_134, %cond3A_135 : i32
        scf.if %cond3A_136 {
          %add3A_149 = arith.constant 3 : i32
          %add3A_150 = arith.addi %add3A_83, %add3A_149 : i32
          %dma_start3A_151 = arith.constant 0 : i32
          %dma_start3A_152 = tpu.memref_slice %arg8[%add3A_150, %dma_start3A_151] : memref<25x80xi32, #tpu.memory_space<vmem>> -> memref<1x80xi32, #tpu.memory_space<vmem>>
          %dma_start3A_153 = tpu.memref_squeeze %dma_start3A_152 : memref<1x80xi32, #tpu.memory_space<vmem>> -> memref<80xi32, #tpu.memory_space<vmem>>
          %dma_start3A_154 = arith.constant 0 : i32
          %dma_start3A_155 = arith.constant 0 : i32
          %dma_start3A_156 = tpu.memref_slice %arg2[%dma_start3A_154, %dma_start3A_155] : memref<10000x128xf32, #tpu.memory_space<hbm>> -> memref<10000x128xf32, #tpu.memory_space<hbm>>
          tpu.enqueue_indirect_dma source(%dma_start3A_156 : memref<10000x128xf32, #tpu.memory_space<hbm>>) target(%arg11 : memref<80x128xf32, #tpu.memory_space<vmem>>) offsets(%dma_start3A_153 : memref<80xi32, #tpu.memory_space<vmem>>) semaphore(%arg18 : memref<!tpu.dma_semaphore, #tpu.memory_space<semaphore_mem>>)
        } else {
        }
        %scan3A_137 = arith.constant 0 : i32
        %scan3A_138 = arith.constant 5 : i32
        %scan3A_139 = arith.addi %scan3A_137, %scan3A_138 : i32
        %scan3A_140 = arith.constant 1 : i32
        scf.for %scan3A_149 = %scan3A_137 to %scan3A_139 step %scan3A_140  : i32 {
          %mul3A_150 = arith.constant 16 : i32
          %mul3A_151 = arith.muli %scan3A_149, %mul3A_150 : i32
          %add3A_152 = arith.constant 0 : i32
          %add3A_153 = arith.addi %add3A_152, %mul3A_151 : i32
          %get3A = arith.index_cast %add3A_83 : i32 to index
          %get3A_154 = arith.index_cast %add3A_153 : i32 to index
          %get3A_155 = tpu.vector_load %arg8[%get3A, %get3A_154] {strides = array<i32>} : memref<25x80xi32, #tpu.memory_space<vmem>>, vector<16xi32>,
          %get3A_156 = arith.index_cast %add3A_83 : i32 to index
          %get3A_157 = arith.index_cast %add3A_153 : i32 to index
          %get3A_158 = tpu.vector_load %arg9[%get3A_156, %get3A_157] {strides = array<i32>} : memref<25x80xi32, #tpu.memory_space<vmem>>, vector<16xi32>,
          %shift_right_logical3A = arith.constant 4 : i32
          %shift_right_logical3A_159 = vector.broadcast %shift_right_logical3A : i32 to vector<16xi32>
          %shift_right_logical3A_160 = arith.shrui %get3A_155, %shift_right_logical3A_159 : vector<16xi32>
          %and3A = arith.constant 15 : i32
          %and3A_161 = vector.broadcast %and3A : i32 to vector<16xi32>
          %and3A_162 = arith.andi %get3A_155, %and3A_161 : vector<16xi32>
          %gather3A = tpu.vector_load_idx %arg12[%shift_right_logical3A_160, %and3A_162] : memref<625x16xf32, #tpu.memory_space<vmem>>[vector<16xi32>, vector<16xi32>], vector<16xf32>,
          %shift_right_logical3A_163 = arith.constant 4 : i32
          %shift_right_logical3A_164 = vector.broadcast %shift_right_logical3A_163 : i32 to vector<16xi32>
          %shift_right_logical3A_165 = arith.shrui %get3A_158, %shift_right_logical3A_164 : vector<16xi32>
          %and3A_166 = arith.constant 15 : i32
          %and3A_167 = vector.broadcast %and3A_166 : i32 to vector<16xi32>
          %and3A_168 = arith.andi %get3A_158, %and3A_167 : vector<16xi32>
          tpu.vector_store_idx %arg13[%shift_right_logical3A_165, %and3A_168], %gather3A {add = true} : memref<625x16xf32, #tpu.memory_space<vmem>>[vector<16xi32>, vector<16xi32>], vector<16xf32>,
        }
        %scan3A_141 = arith.constant 5 : i32
        %add3A_142 = arith.constant 1 : i32
        %add3A_143 = arith.addi %add3A_83, %add3A_142 : i32
        %scan3A_144 = arith.constant 0 : i32
        %scan3A_145 = arith.constant 5 : i32
        %scan3A_146 = arith.addi %scan3A_144, %scan3A_145 : i32
        %scan3A_147 = arith.constant 1 : i32
        scf.for %scan3A_149 = %scan3A_144 to %scan3A_146 step %scan3A_147  : i32 {
          %mul3A_150 = arith.constant 16 : i32
          %mul3A_151 = arith.muli %scan3A_149, %mul3A_150 : i32
          %add3A_152 = arith.constant 0 : i32
          %add3A_153 = arith.addi %add3A_152, %mul3A_151 : i32
          %get3A = arith.index_cast %add3A_143 : i32 to index
          %get3A_154 = arith.index_cast %add3A_153 : i32 to index
          %get3A_155 = tpu.vector_load %arg8[%get3A, %get3A_154] {strides = array<i32>} : memref<25x80xi32, #tpu.memory_space<vmem>>, vector<16xi32>,
          %get3A_156 = arith.index_cast %add3A_143 : i32 to index
          %get3A_157 = arith.index_cast %add3A_153 : i32 to index
          %get3A_158 = tpu.vector_load %arg9[%get3A_156, %get3A_157] {strides = array<i32>} : memref<25x80xi32, #tpu.memory_space<vmem>>, vector<16xi32>,
          %shift_right_logical3A = arith.constant 4 : i32
          %shift_right_logical3A_159 = vector.broadcast %shift_right_logical3A : i32 to vector<16xi32>
          %shift_right_logical3A_160 = arith.shrui %get3A_155, %shift_right_logical3A_159 : vector<16xi32>
          %and3A = arith.constant 15 : i32
          %and3A_161 = vector.broadcast %and3A : i32 to vector<16xi32>
          %and3A_162 = arith.andi %get3A_155, %and3A_161 : vector<16xi32>
          %gather3A = tpu.vector_load_idx %arg12[%shift_right_logical3A_160, %and3A_162] : memref<625x16xf32, #tpu.memory_space<vmem>>[vector<16xi32>, vector<16xi32>], vector<16xf32>,
          %shift_right_logical3A_163 = arith.constant 4 : i32
          %shift_right_logical3A_164 = vector.broadcast %shift_right_logical3A_163 : i32 to vector<16xi32>
          %shift_right_logical3A_165 = arith.shrui %get3A_158, %shift_right_logical3A_164 : vector<16xi32>
          %and3A_166 = arith.constant 15 : i32
          %and3A_167 = vector.broadcast %and3A_166 : i32 to vector<16xi32>
          %and3A_168 = arith.andi %get3A_158, %and3A_167 : vector<16xi32>
          tpu.vector_store_idx %arg13[%shift_right_logical3A_165, %and3A_168], %gather3A {add = true} : memref<625x16xf32, #tpu.memory_space<vmem>>[vector<16xi32>, vector<16xi32>], vector<16xf32>,
        }
        %scan3A_148 = arith.constant 5 : i32
      }
      %scan3A_66 = arith.constant 12 : i32
      %dma_wait3A = arith.constant 24 : i32
      %dma_wait3A_67 = arith.constant 0 : i32
      %dma_wait3A_68 = tpu.memref_slice %arg8[%dma_wait3A, %dma_wait3A_67] : memref<25x80xi32, #tpu.memory_space<vmem>> -> memref<1x80xi32, #tpu.memory_space<vmem>>
      %dma_wait3A_69 = tpu.memref_squeeze %dma_wait3A_68 : memref<1x80xi32, #tpu.memory_space<vmem>> -> memref<80xi32, #tpu.memory_space<vmem>>
      %dma_wait3A_70 = arith.constant 0 : i32
      %dma_wait3A_71 = arith.constant 0 : i32
      %dma_wait3A_72 = tpu.memref_slice %arg2[%dma_wait3A_70, %dma_wait3A_71] : memref<10000x128xf32, #tpu.memory_space<hbm>> -> memref<10000x128xf32, #tpu.memory_space<hbm>>
      tpu.wait_indirect_dma semaphore(%arg17 : memref<!tpu.dma_semaphore, #tpu.memory_space<semaphore_mem>>) src(%dma_wait3A_72 : memref<10000x128xf32, #tpu.memory_space<hbm>>) dst(%arg10 : memref<80x128xf32, #tpu.memory_space<vmem>>)
      %run_scoped3A_73 = arith.constant 24 : i32
      "tpu.region"() ({
        %run_scoped3A_79 = tpu.sem_alloc : memref<!tpu.dma_semaphore, #tpu.memory_space<semaphore_mem>>
        %dma_start3A_80 = arith.constant 0 : i32
        %dma_start3A_81 = tpu.memref_slice %arg9[%run_scoped3A_73, %dma_start3A_80] : memref<25x80xi32, #tpu.memory_space<vmem>> -> memref<1x80xi32, #tpu.memory_space<vmem>>
        %dma_start3A_82 = tpu.memref_squeeze %dma_start3A_81 : memref<1x80xi32, #tpu.memory_space<vmem>> -> memref<80xi32, #tpu.memory_space<vmem>>
        %dma_start3A_83 = arith.constant 0 : i32
        %dma_start3A_84 = arith.constant 0 : i32
        %dma_start3A_85 = tpu.memref_slice %arg15[%dma_start3A_83, %dma_start3A_84] : memref<10000x128xf32, #tpu.memory_space<vmem_shared>> -> memref<10000x128xf32, #tpu.memory_space<vmem_shared>>
        tpu.enqueue_indirect_dma source(%arg10 : memref<80x128xf32, #tpu.memory_space<vmem>>) target(%dma_start3A_85 : memref<10000x128xf32, #tpu.memory_space<vmem_shared>>) offsets(%dma_start3A_82 : memref<80xi32, #tpu.memory_space<vmem>>) semaphore(%run_scoped3A_79 : memref<!tpu.dma_semaphore, #tpu.memory_space<semaphore_mem>>) {add = true}
        %dma_wait3A_86 = arith.constant 0 : i32
        %dma_wait3A_87 = tpu.memref_slice %arg9[%run_scoped3A_73, %dma_wait3A_86] : memref<25x80xi32, #tpu.memory_space<vmem>> -> memref<1x80xi32, #tpu.memory_space<vmem>>
        %dma_wait3A_88 = tpu.memref_squeeze %dma_wait3A_87 : memref<1x80xi32, #tpu.memory_space<vmem>> -> memref<80xi32, #tpu.memory_space<vmem>>
        %dma_wait3A_89 = arith.constant 0 : i32
        %dma_wait3A_90 = arith.constant 0 : i32
        %dma_wait3A_91 = tpu.memref_slice %arg15[%dma_wait3A_89, %dma_wait3A_90] : memref<10000x128xf32, #tpu.memory_space<vmem_shared>> -> memref<10000x128xf32, #tpu.memory_space<vmem_shared>>
        tpu.wait_indirect_dma semaphore(%run_scoped3A_79 : memref<!tpu.dma_semaphore, #tpu.memory_space<semaphore_mem>>) src(%arg10 : memref<80x128xf32, #tpu.memory_space<vmem>>) dst(%dma_wait3A_91 : memref<10000x128xf32, #tpu.memory_space<vmem_shared>>)
        tpu.yield
      }) : () -> ()
      %scan3A_74 = arith.constant 0 : i32
      %scan3A_75 = arith.constant 5 : i32
      %scan3A_76 = arith.addi %scan3A_74, %scan3A_75 : i32
      %scan3A_77 = arith.constant 1 : i32
      scf.for %scan3A_79 = %scan3A_74 to %scan3A_76 step %scan3A_77  : i32 {
        %mul3A_80 = arith.constant 16 : i32
        %mul3A_81 = arith.muli %scan3A_79, %mul3A_80 : i32
        %add3A_82 = arith.constant 0 : i32
        %add3A_83 = arith.addi %add3A_82, %mul3A_81 : i32
        %get3A = arith.constant 24 : i32
        %get3A_84 = arith.index_cast %get3A : i32 to index
        %get3A_85 = arith.index_cast %add3A_83 : i32 to index
        %get3A_86 = tpu.vector_load %arg8[%get3A_84, %get3A_85] {strides = array<i32>} : memref<25x80xi32, #tpu.memory_space<vmem>>, vector<16xi32>,
        %get3A_87 = arith.constant 24 : i32
        %get3A_88 = arith.index_cast %get3A_87 : i32 to index
        %get3A_89 = arith.index_cast %add3A_83 : i32 to index
        %get3A_90 = tpu.vector_load %arg9[%get3A_88, %get3A_89] {strides = array<i32>} : memref<25x80xi32, #tpu.memory_space<vmem>>, vector<16xi32>,
        %shift_right_logical3A = arith.constant 4 : i32
        %shift_right_logical3A_91 = vector.broadcast %shift_right_logical3A : i32 to vector<16xi32>
        %shift_right_logical3A_92 = arith.shrui %get3A_86, %shift_right_logical3A_91 : vector<16xi32>
        %and3A = arith.constant 15 : i32
        %and3A_93 = vector.broadcast %and3A : i32 to vector<16xi32>
        %and3A_94 = arith.andi %get3A_86, %and3A_93 : vector<16xi32>
        %gather3A = tpu.vector_load_idx %arg12[%shift_right_logical3A_92, %and3A_94] : memref<625x16xf32, #tpu.memory_space<vmem>>[vector<16xi32>, vector<16xi32>], vector<16xf32>,
        %shift_right_logical3A_95 = arith.constant 4 : i32
        %shift_right_logical3A_96 = vector.broadcast %shift_right_logical3A_95 : i32 to vector<16xi32>
        %shift_right_logical3A_97 = arith.shrui %get3A_90, %shift_right_logical3A_96 : vector<16xi32>
        %and3A_98 = arith.constant 15 : i32
        %and3A_99 = vector.broadcast %and3A_98 : i32 to vector<16xi32>
        %and3A_100 = arith.andi %get3A_90, %and3A_99 : vector<16xi32>
        tpu.vector_store_idx %arg13[%shift_right_logical3A_97, %and3A_100], %gather3A {add = true} : memref<625x16xf32, #tpu.memory_space<vmem>>[vector<16xi32>, vector<16xi32>], vector<16xf32>,
      }
      %scan3A_78 = arith.constant 5 : i32
    }
    %scan3A_25 = arith.constant 5 : i32
    %scan3A_26 = arith.constant 0 : i32
    %scan3A_27 = arith.constant 5 : i32
    %scan3A_28 = arith.addi %scan3A_26, %scan3A_27 : i32
    %scan3A_29 = arith.constant 1 : i32
    scf.for %scan3A_39 = %scan3A_26 to %scan3A_28 step %scan3A_29  : i32 {
      %mul3A_40 = arith.constant 1 : i32
      %mul3A_41 = arith.muli %scan3A_39, %mul3A_40 : i32
      %add3A_42 = arith.constant 0 : i32
      %add3A_43 = arith.addi %add3A_42, %mul3A_41 : i32
      %mul3A_44 = arith.constant 125 : i32
      %mul3A_45 = arith.muli %add3A_43, %mul3A_44 : i32
      "tpu.region"() ({
        %run_scoped3A = tpu.sem_alloc : memref<!tpu.dma_semaphore, #tpu.memory_space<semaphore_mem>>
        %dma_start3A = arith.constant 0 : i32
        %dma_start3A_46 = tpu.memref_slice %arg13[%mul3A_45, %dma_start3A] : memref<625x16xf32, #tpu.memory_space<vmem>> -> memref<125x16xf32, #tpu.memory_space<vmem>>
        %dma_start3A_47 = arith.constant 0 : i32
        %dma_start3A_48 = tpu.memref_slice %arg14[%add3A_43, %dma_start3A_47] : memref<5x125xi32, #tpu.memory_space<vmem>> -> memref<1x125xi32, #tpu.memory_space<vmem>>
        %dma_start3A_49 = tpu.memref_squeeze %dma_start3A_48 : memref<1x125xi32, #tpu.memory_space<vmem>> -> memref<125xi32, #tpu.memory_space<vmem>>
        %dma_start3A_50 = arith.constant 0 : i32
        %dma_start3A_51 = arith.constant 0 : i32
        %dma_start3A_52 = tpu.memref_slice %arg16[%dma_start3A_50, %dma_start3A_51] : memref<625x16xf32, #tpu.memory_space<vmem_shared>> -> memref<625x16xf32, #tpu.memory_space<vmem_shared>>
        tpu.enqueue_indirect_dma source(%dma_start3A_46 : memref<125x16xf32, #tpu.memory_space<vmem>>) target(%dma_start3A_52 : memref<625x16xf32, #tpu.memory_space<vmem_shared>>) offsets(%dma_start3A_49 : memref<125xi32, #tpu.memory_space<vmem>>) semaphore(%run_scoped3A : memref<!tpu.dma_semaphore, #tpu.memory_space<semaphore_mem>>) {add = true}
        %dma_wait3A = arith.constant 0 : i32
        %dma_wait3A_53 = tpu.memref_slice %arg13[%mul3A_45, %dma_wait3A] : memref<625x16xf32, #tpu.memory_space<vmem>> -> memref<125x16xf32, #tpu.memory_space<vmem>>
        %dma_wait3A_54 = arith.constant 0 : i32
        %dma_wait3A_55 = tpu.memref_slice %arg14[%add3A_43, %dma_wait3A_54] : memref<5x125xi32, #tpu.memory_space<vmem>> -> memref<1x125xi32, #tpu.memory_space<vmem>>
        %dma_wait3A_56 = tpu.memref_squeeze %dma_wait3A_55 : memref<1x125xi32, #tpu.memory_space<vmem>> -> memref<125xi32, #tpu.memory_space<vmem>>
        %dma_wait3A_57 = arith.constant 0 : i32
        %dma_wait3A_58 = arith.constant 0 : i32
        %dma_wait3A_59 = tpu.memref_slice %arg16[%dma_wait3A_57, %dma_wait3A_58] : memref<625x16xf32, #tpu.memory_space<vmem_shared>> -> memref<625x16xf32, #tpu.memory_space<vmem_shared>>
        tpu.wait_indirect_dma semaphore(%run_scoped3A : memref<!tpu.dma_semaphore, #tpu.memory_space<semaphore_mem>>) src(%dma_wait3A_53 : memref<125x16xf32, #tpu.memory_space<vmem>>) dst(%dma_wait3A_59 : memref<625x16xf32, #tpu.memory_space<vmem_shared>>)
        tpu.yield
      }) : () -> ()
    }
    %scan3A_30 = arith.constant 5 : i32
    %barrier3A_31 = arith.constant 0 : index
    tpu.barrier barrier_id(%barrier3A_31)
    %mul3A_32 = arith.constant 625 : i32
    %mul3A_33 = arith.muli %arg1, %mul3A_32 : i32
    "tpu.region"() ({
      %run_scoped3A = tpu.sem_alloc : memref<!tpu.dma_semaphore, #tpu.memory_space<semaphore_mem>>
      %dma_start3A = arith.constant 0 : i32
      %dma_start3A_39 = tpu.memref_slice %arg6[%arg0, %mul3A_33, %dma_start3A] : memref<2x10000x128xf32, #tpu.memory_space<hbm>> -> memref<1x625x128xf32, #tpu.memory_space<hbm>>
      %dma_start3A_40 = tpu.memref_squeeze %dma_start3A_39 : memref<1x625x128xf32, #tpu.memory_space<hbm>> -> memref<625x128xf32, #tpu.memory_space<hbm>>
      %dma_start3A_41 = arith.constant 0 : i32
      %dma_start3A_42 = tpu.memref_slice %arg15[%mul3A_33, %dma_start3A_41] : memref<10000x128xf32, #tpu.memory_space<vmem_shared>> -> memref<625x128xf32, #tpu.memory_space<vmem_shared>>
      tpu.enqueue_dma source(%dma_start3A_42 : memref<625x128xf32, #tpu.memory_space<vmem_shared>>) target(%dma_start3A_40 : memref<625x128xf32, #tpu.memory_space<hbm>>) target_semaphore(%run_scoped3A : memref<!tpu.dma_semaphore, #tpu.memory_space<semaphore_mem>>)
      %dma_wait3A = arith.constant 0 : i32
      %dma_wait3A_43 = tpu.memref_slice %arg6[%arg0, %mul3A_33, %dma_wait3A] : memref<2x10000x128xf32, #tpu.memory_space<hbm>> -> memref<1x625x128xf32, #tpu.memory_space<hbm>>
      %dma_wait3A_44 = tpu.memref_squeeze %dma_wait3A_43 : memref<1x625x128xf32, #tpu.memory_space<hbm>> -> memref<625x128xf32, #tpu.memory_space<hbm>>
      %dma_wait3A_45 = arith.constant 0 : i32
      %dma_wait3A_46 = tpu.memref_slice %arg15[%mul3A_33, %dma_wait3A_45] : memref<10000x128xf32, #tpu.memory_space<vmem_shared>> -> memref<625x128xf32, #tpu.memory_space<vmem_shared>>
      tpu.wait_dma2 semaphore(%run_scoped3A : memref<!tpu.dma_semaphore, #tpu.memory_space<semaphore_mem>>) src(%dma_wait3A_46 : memref<625x128xf32, #tpu.memory_space<vmem_shared>>) dst(%dma_wait3A_44 : memref<625x128xf32, #tpu.memory_space<hbm>>)
      tpu.yield
    }) : () -> ()
    %eq3A_34 = arith.constant 0 : i32
    %eq3A_35 = arith.cmpi eq, %arg1, %eq3A_34 : i32
    %convert_element_type3A_36 = arith.extui %eq3A_35 : i1 to i32
    %cond3A_37 = arith.constant 0 : i32
    %cond3A_38 = arith.cmpi ne, %convert_element_type3A_36, %cond3A_37 : i32
    scf.if %cond3A_38 {
      "tpu.region"() ({
        %run_scoped3A = tpu.sem_alloc : memref<!tpu.dma_semaphore, #tpu.memory_space<semaphore_mem>>
        %dma_start3A = arith.constant 0 : i32
        %dma_start3A_39 = arith.constant 0 : i32
        %dma_start3A_40 = tpu.memref_slice %arg7[%arg0, %dma_start3A, %dma_start3A_39] : memref<2x625x16xf32, #tpu.memory_space<hbm>> -> memref<1x625x16xf32, #tpu.memory_space<hbm>>
        %dma_start3A_41 = tpu.memref_squeeze %dma_start3A_40 : memref<1x625x16xf32, #tpu.memory_space<hbm>> -> memref<625x16xf32, #tpu.memory_space<hbm>>
        tpu.enqueue_dma source(%arg16 : memref<625x16xf32, #tpu.memory_space<vmem_shared>>) target(%dma_start3A_41 : memref<625x16xf32, #tpu.memory_space<hbm>>) target_semaphore(%run_scoped3A : memref<!tpu.dma_semaphore, #tpu.memory_space<semaphore_mem>>)
        %dma_wait3A = arith.constant 0 : i32
        %dma_wait3A_42 = arith.constant 0 : i32
        %dma_wait3A_43 = tpu.memref_slice %arg7[%arg0, %dma_wait3A, %dma_wait3A_42] : memref<2x625x16xf32, #tpu.memory_space<hbm>> -> memref<1x625x16xf32, #tpu.memory_space<hbm>>
        %dma_wait3A_44 = tpu.memref_squeeze %dma_wait3A_43 : memref<1x625x16xf32, #tpu.memory_space<hbm>> -> memref<625x16xf32, #tpu.memory_space<hbm>>
        tpu.wait_dma2 semaphore(%run_scoped3A : memref<!tpu.dma_semaphore, #tpu.memory_space<semaphore_mem>>) src(%arg16 : memref<625x16xf32, #tpu.memory_space<vmem_shared>>) dst(%dma_wait3A_44 : memref<625x16xf32, #tpu.memory_space<hbm>>)
        tpu.yield
      }) : () -> ()
    } else {
    }
    return
  }
}

module attributes {stable_mosaic.version = 14 : i64} {
  func.func @_prep_body(%arg0: memref<10000x128xf32, #tpu.memory_space<vmem>>, %arg1: memref<1x128xf32, #tpu.memory_space<vmem>>, %arg2: memref<128x128xf32, #tpu.memory_space<vmem>>, %arg3: memref<128x1xf32, #tpu.memory_space<vmem>>, %arg4: memref<10000x128xf32, #tpu.memory_space<vmem>>, %arg5: memref<625x16xf32, #tpu.memory_space<vmem>>) attributes {dimension_semantics = [], scalar_prefetch = 0 : i64, scratch_operands = 0 : i64, tpu.core_type = #tpu.core_type<tc>} {
    %get3A = arith.constant 0 : index
    %get3A_0 = arith.constant 0 : index
    %get3A_1 = vector.load %arg0[%get3A, %get3A_0] : memref<10000x128xf32, #tpu.memory_space<vmem>>, vector<10000x128xf32>
    %get3A_2 = arith.constant 0 : index
    %get3A_3 = arith.constant 0 : index
    %get3A_4 = vector.load %arg1[%get3A_2, %get3A_3] : memref<1x128xf32, #tpu.memory_space<vmem>>, vector<1x128xf32>
    %mul3A = vector.broadcast %get3A_4 : vector<1x128xf32> to vector<10000x128xf32>
    %mul3A_5 = arith.mulf %get3A_1, %mul3A : vector<10000x128xf32>
    %get3A_6 = arith.constant 0 : index
    %get3A_7 = arith.constant 0 : index
    %get3A_8 = vector.load %arg2[%get3A_6, %get3A_7] : memref<128x128xf32, #tpu.memory_space<vmem>>, vector<128x128xf32>
    %dot_general3A = arith.constant dense<0.000000e+00> : vector<10000x128xf32>
    %dot_general3A_9 = tpu.matmul %mul3A_5, %get3A_8, %dot_general3A {dimension_numbers = #tpu.dot_dimension_numbers<[1], [1], [0], [0], [0, 0, 1, 0], [], []>, transpose_lhs_hint = false} : vector<10000x128xf32>, vector<128x128xf32>, vector<10000x128xf32> -> vector<10000x128xf32>
    %get3A_10 = arith.constant 0 : index
    %get3A_11 = arith.constant 0 : index
    %get3A_12 = vector.load %arg3[%get3A_10, %get3A_11] : memref<128x1xf32, #tpu.memory_space<vmem>>, vector<128x1xf32>
    %dot_general3A_13 = arith.constant dense<0.000000e+00> : vector<10000x1xf32>
    %dot_general3A_14 = tpu.matmul %dot_general3A_9, %get3A_12, %dot_general3A_13 {dimension_numbers = #tpu.dot_dimension_numbers<[1], [0], [0], [1], [0, 0, 1, 1], [], []>, transpose_lhs_hint = false} : vector<10000x128xf32>, vector<128x1xf32>, vector<10000x1xf32> -> vector<10000x1xf32>
    %gt3A = arith.constant 0.000000e+00 : f32
    %gt3A_15 = vector.broadcast %gt3A : f32 to vector<10000x1xf32>
    %gt3A_16 = arith.cmpf ogt, %dot_general3A_14, %gt3A_15 : vector<10000x1xf32>
    %mul3A_17 = arith.constant 0.00999999977 : f32
    %mul3A_18 = vector.broadcast %mul3A_17 : f32 to vector<10000x1xf32>
    %mul3A_19 = arith.mulf %dot_general3A_14, %mul3A_18 : vector<10000x1xf32>
    %select_n3A = arith.select %gt3A_16, %dot_general3A_14, %mul3A_19 : vector<10000x1xi1>, vector<10000x1xf32>
    %reduce_max3A = vector.shape_cast %select_n3A : vector<10000x1xf32> to vector<1x10000x1xf32>
    %reduce_max3A_20 = arith.constant dense<0xFF800000> : vector<1xf32>
    %reduce_max3A_21 = vector.multi_reduction <maximumf>, %reduce_max3A, %reduce_max3A_20 [1, 2] : vector<1x10000x1xf32> to vector<1xf32>
    %reduce_max3A_22 = vector.shape_cast %reduce_max3A_21 : vector<1xf32> to vector<1x1x1xf32>
    %reduce_max3A_23 = vector.extract %reduce_max3A_22[0, 0, 0] : f32 from vector<1x1x1xf32>
    %sub3A = vector.broadcast %reduce_max3A_23 : f32 to vector<10000x1xf32>
    %sub3A_24 = arith.subf %select_n3A, %sub3A : vector<10000x1xf32>
    %exp3A = math.exp %sub3A_24 : vector<10000x1xf32>
    %mul3A_25 = vector.broadcast %exp3A : vector<10000x1xf32> to vector<10000x128xf32>
    %mul3A_26 = arith.mulf %dot_general3A_9, %mul3A_25 : vector<10000x128xf32>
    %swap3A = arith.constant 0 : index
    %swap3A_27 = arith.constant 0 : index
    %swap3A_28 = vector.load %arg4[%swap3A, %swap3A_27] : memref<10000x128xf32, #tpu.memory_space<vmem>>, vector<10000x128xf32>
    tpu.vector_store %arg4[%swap3A, %swap3A_27], %mul3A_26 {strides = array<i32>} : memref<10000x128xf32, #tpu.memory_space<vmem>>, vector<10000x128xf32>,
    %reshape3A = vector.shape_cast %exp3A : vector<10000x1xf32> to vector<625x16xf32>
    %swap3A_29 = arith.constant 0 : index
    %swap3A_30 = arith.constant 0 : index
    %swap3A_31 = vector.load %arg5[%swap3A_29, %swap3A_30] : memref<625x16xf32, #tpu.memory_space<vmem>>, vector<625x16xf32>
    tpu.vector_store %arg5[%swap3A_29, %swap3A_30], %reshape3A {strides = array<i32>} : memref<625x16xf32, #tpu.memory_space<vmem>>, vector<625x16xf32>,
    return
  }
}

module attributes {stable_mosaic.version = 14 : i64} {
  func.func @_final_body(%arg0: memref<2x10000x128xf32, #tpu.memory_space<vmem>>, %arg1: memref<2x10000x1xf32, #tpu.memory_space<vmem>>, %arg2: memref<10000x128xf32, #tpu.memory_space<vmem>>) attributes {dimension_semantics = [], scalar_prefetch = 0 : i64, scratch_operands = 0 : i64, tpu.core_type = #tpu.core_type<tc>} {
    %get3A = arith.constant 0 : index
    %get3A_0 = arith.constant 0 : index
    %get3A_1 = arith.constant 0 : index
    %get3A_2 = vector.load %arg0[%get3A, %get3A_0, %get3A_1] : memref<2x10000x128xf32, #tpu.memory_space<vmem>>, vector<1x10000x128xf32>
    %get3A_3 = vector.shape_cast %get3A_2 : vector<1x10000x128xf32> to vector<10000x128xf32>
    %get3A_4 = arith.constant 1 : index
    %get3A_5 = arith.constant 0 : index
    %get3A_6 = arith.constant 0 : index
    %get3A_7 = vector.load %arg0[%get3A_4, %get3A_5, %get3A_6] : memref<2x10000x128xf32, #tpu.memory_space<vmem>>, vector<1x10000x128xf32>
    %get3A_8 = vector.shape_cast %get3A_7 : vector<1x10000x128xf32> to vector<10000x128xf32>
    %add3A = arith.addf %get3A_3, %get3A_8 : vector<10000x128xf32>
    %get3A_9 = arith.constant 0 : index
    %get3A_10 = arith.constant 0 : index
    %get3A_11 = arith.constant 0 : index
    %get3A_12 = vector.load %arg1[%get3A_9, %get3A_10, %get3A_11] : memref<2x10000x1xf32, #tpu.memory_space<vmem>>, vector<1x10000x1xf32>
    %get3A_13 = vector.shape_cast %get3A_12 : vector<1x10000x1xf32> to vector<10000x1xf32>
    %get3A_14 = arith.constant 1 : index
    %get3A_15 = arith.constant 0 : index
    %get3A_16 = arith.constant 0 : index
    %get3A_17 = vector.load %arg1[%get3A_14, %get3A_15, %get3A_16] : memref<2x10000x1xf32, #tpu.memory_space<vmem>>, vector<1x10000x1xf32>
    %get3A_18 = vector.shape_cast %get3A_17 : vector<1x10000x1xf32> to vector<10000x1xf32>
    %add3A_19 = arith.addf %get3A_13, %get3A_18 : vector<10000x1xf32>
    %gt3A = arith.constant 0.000000e+00 : f32
    %gt3A_20 = vector.broadcast %gt3A : f32 to vector<10000x1xf32>
    %gt3A_21 = arith.cmpf ogt, %add3A_19, %gt3A_20 : vector<10000x1xf32>
    %jit3A = arith.constant 1.000000e+00 : f32
    %broadcast_in_dim3A = vector.broadcast %jit3A : f32 to vector<10000x1xf32>
    %select_n3A = arith.select %gt3A_21, %add3A_19, %broadcast_in_dim3A : vector<10000x1xi1>, vector<10000x1xf32>
    %div3A = vector.broadcast %select_n3A : vector<10000x1xf32> to vector<10000x128xf32>
    %div3A_22 = arith.divf %add3A, %div3A : vector<10000x128xf32>
    %max3A = arith.constant 0.000000e+00 : f32
    %max3A_23 = vector.broadcast %max3A : f32 to vector<10000x128xf32>
    %max3A_24 = arith.maximumf %div3A_22, %max3A_23 : vector<10000x128xf32>
    %swap3A = arith.constant 0 : index
    %swap3A_25 = arith.constant 0 : index
    %swap3A_26 = vector.load %arg2[%swap3A, %swap3A_25] : memref<10000x128xf32, #tpu.memory_space<vmem>>, vector<10000x128xf32>
    tpu.vector_store %arg2[%swap3A, %swap3A_25], %max3A_24 {strides = array<i32>} : memref<10000x128xf32, #tpu.memory_space<vmem>>, vector<10000x128xf32>,
    return
  }
}

</mosaic_0001>

<sc_bundles>
// kernel: kernel.5.cloned.1.call-start
scs
__scs_entry_jumppad:
0x0: {  	(pc) =	sbr.rel $0x88, $3  }
0x1: {  	(tag) =	ssettag $0x0;
	lr =	simm.s32 $0x1  }
0x2: {  	[smem:$0x3F9C] =	sst lr;
	_ =	strace $0xD0000000  }
0x3: {  	_ = 	snop  }
0x4: {  	_ = 	snop  }
0x5: {  	_ = 	snop  }
0x6: {  	_ = 	snop  }
0x7: {  	_ = 	snop  }
__scs_overlays_trampoline_lowered:
0x8: {  	[smem:$0x3FAB] =	sst s0  }
0x9: {  	[smem:$0x3FAC] =	sst s1  }
0xa: {  	[smem:$0x3FAD] =	sst s2  }
0xb: {  	[smem:$0x3FAE] =	sst s3  }
0xc: {  	[smem:$0x3FAF] =	sst s4  }
0xd: {  	[smem:$0x3FB0] =	sst s5  }
0xe: {  	[smem:$0x3FB1] =	sst s6  }
0xf: {  	[smem:$0x3FB2] =	sst s7  }
0x10: {  	[smem:$0x3FB3] =	sst s8  }
0x11: {  	[smem:$0x3FB4] =	sst s9;
	s0 =	simm.s32 @!p0 $0x0  }
0x12: {  	s1 =	sld [smem:$0x3F9A];
	s0 =	simm.s32 @p0 $0x1  }
0x13: {  	[smem:$0x3FB5] =	sst s0;
	s0 =	simm.s32 @!p1 $0x0  }
0x14: {  	s2 =	sld [smem:$0x3F99];
	s0 =	simm.s32 @p1 $0x1  }
0x15: {  	[smem:$0x3FB6] =	sst s0;
	s0 =	simm.s32 @!p2 $0x0  }
0x16: {  	s3 =	sld [smem:$0x3FDB];
	s0 =	simm.s32 @p2 $0x1  }
0x17: {  	s4 =	simm.s32 $0x1BF5;
	[smem:$0x3FB8] =	sst s0  }
0x18: {  	s0 =	sld [smem:$0x3F9B];
	_ =	swait.ge [sflag:s4], $0x0  }
0x19: {  	s7 =	sld [smem:$0x3F9C]  }
0x1a: {  	s8 =	sadd.s32 $0xFFFFE003, lr  }
0x1b: {  	s9 =	sadd.s32 $0xFFFFFEF7, lr;
	s5 =	simm.s32 $0xFFFFFFFF;
	p2 =	slt.u32 s8, $0xFFFFF086  }
0x1c: {  	p1 =	slt.u32 s9, $0xF7A;
	s5 =	simm.s32 @!p2 $0x0  }
0x1d: {  	s5 =	simm.s32 @p1 $0x1;
	p0 =	seq.s32 s7, s2  }
0x1e: {  	s7 =	smul.u32 @!p0 $0xF7A, s2;
	p2 =	seq.s32 @!p0 s5, $0x0  }
0x1f: {  	s9 =	smul.u32 $0xF7A, s1;
	s8 =	simm.s32 @!p0 $0x1BF5;
	p2 =	por !p2, p0  }
0x20: {  	[sflag:s8] =	ssyncset.s32 @!p0 $0xFFFFF086;
	s6 =	sadd.s32 @!p0 s3, s7;
	s7 =	simm.s32 @!p0 $0x108  }
0x21: {  	s3 =	sadd.s32 s3, s9;
	s6 =	sadd.s32 @!p0 $0x88, s6;
	s7 =	simm.s32 @p2 $0x1082  }
0x22: {  	[simem:s7], [sflag:s8] =	dma.local @!p0 [hbm:s6], $0xF7A  }
0x23: {  	s9 =	sor.u32 $0xD0000000, s2;
	s6 =	simm.s32 $0x108;
	_ =	swait.ge @!p0 [sflag:s8], $0x0  }
0x24: {  	s3 =	sadd.s32 $0x88, s3;
	s6 =	simm.s32 @!p1 $0x1082;
	[sflag:s4] =	ssyncset.s32 $0xFFFFF086  }
0x25: {  	[simem:s6], [sflag:s4] =	dma.local [hbm:s3], $0xF7A  }
0x26: {  	[smem:$0x3F9C] =	sst s1;
	(tag) =	ssettag s2;
	_ =	strace s9  }
0x27: {  	s1 =	sld [smem:$0x3FAC]  }
0x28: {  	s2 =	sld [smem:$0x3FAD]  }
0x29: {  	s4 =	sld [smem:$0x3FAF]  }
0x2a: {  	p0 =	seq.s32 s5, $0x0;
	s5 =	sld [smem:$0x3FB0]  }
0x2b: {  	s6 =	sld [smem:$0x3FB1]  }
0x2c: {  	s7 =	sld [smem:$0x3FB2]  }
0x2d: {  	s3 =	simm.s32 $0x108;
	s8 =	sld [smem:$0x3FB3]  }
0x2e: {  	s3 =	simm.s32 @!p0 $0x1082;
	s9 =	sld [smem:$0x3FB4]  }
0x2f: {  	lr =	sadd.s32 s0, s3;
	s0 =	sld [smem:$0x3FAB]  }
0x30: {  	s3 =	sld [smem:$0x3FAE]  }
0x31: {  	[smem:$0x3FB7] =	sst s10  }
0x32: {  	s10 =	sld [smem:$0x3FB5];
	_ =	sdelay $0x3  }
0x33: {  	p0 =	seq.s32 s10, $0x1;
	s10 =	sld [smem:$0x3FB7];
	_ =	sdelay $0x3  }
0x34: {  	[smem:$0x3FB7] =	sst s10  }
0x35: {  	s10 =	sld [smem:$0x3FB6];
	_ =	sdelay $0x3  }
0x36: {  	p1 =	seq.s32 s10, $0x1;
	s10 =	sld [smem:$0x3FB7];
	_ =	sdelay $0x3  }
0x37: {  	[smem:$0x3FB7] =	sst s10  }
0x38: {  	s10 =	sld [smem:$0x3FB8]  }
0x39: {  	_ = 	snop;
	(pc) =	sbr.ind lr, $3  }
0x3a: {  	_ = 	snop  }
0x3b: {  	_ = 	snop  }
0x3c: {  	p2 =	seq.s32 s10, $0x1;
	s10 =	sld [smem:$0x3FB7]  }
0x3d: {  	_ =	shalt  }
0x3e: {  	_ =	shalt  }
0x3f: {  	_ =	shalt  }
0x40: {  	_ =	shalt  }
0x41: {  	_ =	shalt  }
0x42: {  	_ =	shalt  }
0x43: {  	_ =	shalt  }
0x44: {  	_ =	shalt  }
0x45: {  	_ =	shalt  }
0x46: {  	_ =	shalt  }
0x47: {  	_ =	shalt  }
0x48: {  	_ =	shalt  }
0x49: {  	_ =	shalt  }
0x4a: {  	_ =	shalt  }
0x4b: {  	_ =	shalt  }
0x4c: {  	_ =	shalt  }
0x4d: {  	_ =	shalt  }
0x4e: {  	_ =	shalt  }
0x4f: {  	_ =	shalt  }
0x50: {  	_ =	shalt  }
0x51: {  	_ =	shalt  }
0x52: {  	_ =	shalt  }
0x53: {  	_ =	shalt  }
0x54: {  	_ =	shalt  }
0x55: {  	_ =	shalt  }
0x56: {  	_ =	shalt  }
0x57: {  	_ =	shalt  }
0x58: {  	_ =	shalt  }
0x59: {  	_ =	shalt  }
0x5a: {  	_ =	shalt  }
0x5b: {  	_ =	shalt  }
0x5c: {  	_ =	shalt  }
0x5d: {  	_ =	shalt  }
0x5e: {  	_ =	shalt  }
0x5f: {  	_ =	shalt  }
0x60: {  	_ =	shalt  }
0x61: {  	_ =	shalt  }
0x62: {  	_ =	shalt  }
0x63: {  	_ =	shalt  }
0x64: {  	_ =	shalt  }
0x65: {  	_ =	shalt  }
0x66: {  	_ =	shalt  }
0x67: {  	_ =	shalt  }
0x68: {  	_ =	shalt  }
0x69: {  	_ =	shalt  }
0x6a: {  	_ =	shalt  }
0x6b: {  	_ =	shalt  }
0x6c: {  	_ =	shalt  }
0x6d: {  	_ =	shalt  }
0x6e: {  	_ =	shalt  }
0x6f: {  	_ =	shalt  }
0x70: {  	_ =	shalt  }
0x71: {  	_ =	shalt  }
0x72: {  	_ =	shalt  }
0x73: {  	_ =	shalt  }
0x74: {  	_ =	shalt  }
0x75: {  	_ =	shalt  }
0x76: {  	_ =	shalt  }
0x77: {  	_ =	shalt  }
0x78: {  	_ =	shalt  }
0x79: {  	_ =	shalt  }
0x7a: {  	_ =	shalt  }
0x7b: {  	_ =	shalt  }
0x7c: {  	_ =	shalt  }
0x7d: {  	_ =	shalt  }
0x7e: {  	_ =	shalt  }
0x7f: {  	_ =	shalt  }
0x80: {  	_ =	shalt  }
0x81: {  	_ =	shalt  }
0x82: {  	_ =	shalt  }
0x83: {  	_ =	shalt  }
0x84: {  	_ =	shalt  }
0x85: {  	_ =	shalt  }
0x86: {  	_ =	shalt  }
0x87: {  	_ =	shalt  }
.Lfunc_end0:
.L_simem_size_0:
called_computation_lowered:
.L_overlay_start_0:
0x88: {  	s2 =	sld [smem:$0x3FD9]  }
0x89: {  	s3 =	sld [smem:$0x3FFE];
	_ =	sdelay $0x1  }
0x8a: {  	s1 =	srdreg.scid  }
0x8b: {  	s0 =	sand.u32 $0x1, s1  }
0x8c: {  	s17 =	sshll.u32 s0, $0xA;
	s2 =	sadd.s32 s3, s2  }
0x8d: {  	s2 =	sadd.s32 s2, s17  }
0x8e: {  	[smem:$0x3FC3] =	sst s2  }
0x8f: {  	_ = 	snop  }
0x90: {  	s2 =	sld [smem:$0x3FD0];
	(tm) =	ssettm $0x1  }
0x91: {  	s18 =	sld [smem:$0x3FFB];
	_ =	sdelay $0x3  }
0x92: {  	_ =	strace s18  }
0x93: {  	s3 =	sld [smem:$0x3FFC];
	_ =	sdelay $0x3  }
0x94: {  	_ =	strace s3  }
0x95: {  	s3 =	sld [smem:$0x3FFD];
	_ =	sdelay $0x3  }
0x96: {  	_ =	strace s3  }
0x97: {  	_ =	strace $0x8FFFFFFF  }
0x98: {  	s19 =	sld [smem:$0x3FDB];
	_ =	sdelay $0x1  }
0x99: {  	s4 =	simm.s32 $_scs_section_size  }
0x9a: {  	s5 =	simm.s32 $_size__tile_overlayer_lowered;
	s6 =	simm.s32 $_tile_overlayer_lowered  }
0x9b: {  	s22 =	simm.s32 $0x1BFF;
	s21 =	sshll.u32 s6, $0x1;
	s3 =	sadd.s32 s4, s19  }
0x9c: {  	s7 =	simm.s32 $0x0;
	s20 =	sshll.u32 s5, $0x1;
	s5 =	sadd.s32 s21, s3  }
0x9d: {  	[timem:s7], [sflag:s22] =	dma.local [hbm:s5], s20  }
0x9e: {  	_ =	swait.ge [sflag:s22], s20  }
0x9f: {  	s4 =	ssub.s32 $0x0, s20;
	[sflag:s22] =	ssyncset.done $0x0  }
0xa0: {  	[sflag:s22] =	ssyncadd.s32 s4;
	_ =	sdelay $0x1  }
0xa1: {  	s23 =	simm.s32 $0x1B8B  }
0xa2: {  	_ =	swait.ge [sflag:s23], $0x1  }
0xa3: {  	[sflag:s23] =	ssyncset.done $0x0  }
0xa4: {  	s25 =	simm.s32 $0x1B8E;
	s24 =	sld [smem:$0x3FFE];
	[sflag:s23] =	ssyncadd.s32 $0xFFFFFFFF  }
0xa5: {  	s26 =	simm.s32 $execute0_lowered;
	[smem:$0x3FD2] =	sst s25  }
0xa6: {  	s5 =	sshll.u32 s26, $0x1;
	_ =	strace $0x80000046;
	[dreg:$0x1] =	wrdreg $0xFFFFFFFF  }
0xa7: {  	s28 =	simm.s32 $_size_execute0_lowered;
	s3 =	sadd.s32 s3, s5;
	[dreg:$0x0] =	wrdreg $0x0  }
0xa8: {  	s5 =	sshll.u32 s28, $0x1;
	[dreg:$0x2] =	wrdreg s3  }
0xa9: {  	[dreg:$0x3] =	wrdreg s5  }
0xaa: {  	[dreg:$0x4] =	wrdreg $0xC0  }
0xab: {  	_ =	task [dreg:s7], $0x5FFFF  }
0xac: {  	[dreg:$0x1] =	wrdreg $0xFFFFFFFF  }
0xad: {  	[dreg:$0x0] =	wrdreg $0x60  }
0xae: {  	[dreg:$0x2] =	wrdreg s2  }
0xaf: {  	[dreg:$0x3] =	wrdreg s24  }
0xb0: {  	[dreg:$0x4] =	wrdreg $0xB0400  }
0xb1: {  	[dreg:$0x5] =	wrdreg $0x1E8C00  }
0xb2: {  	[dreg:$0x6] =	wrdreg $0x9  }
0xb3: {  	_ =	task.clear_ibuf [dreg:s7], $0x7FFFF;
	_ =	strace $0x90000046  }
0xb4: {  	s29 =	simm.s32 $0x9;
	_ =	strace $0x80000048  }
0xb5: {  	_ =	swait.ge [sflag:s29], $0x1  }
0xb6: {  	[sflag:s29] =	ssyncadd.s32 $0xFFFFFFFF  }
0xb7: {  	_ =	strace $0x90000048  }
0xb8: {  	_ =	sfence  }
0xb9: {  	s30 =	sld [smem:$0x0];
	_ =	sdelay $0x2  }
0xba: {  	s31 =	sshll.u32 s1, $0xD;
	s1 =	sshrl.u32 s1, $0x2  }
0xbb: {  	s3 =	sand.u32 $0x4000, s31;
	s1 =	sadd.s32 s1, s30  }
0xbc: {  	s0 =	sor.u32 s3, s0;
	s1 =	sshll.u32 s1, $0x11  }
0xbd: {  	s0 =	sor.u32 s1, s0  }
0xbe: {  	s0 =	sadd.s32 $0x8F2B, s0  }
0xbf: {  	[sflag:s0] =	ssyncadd.remote.s32 $0x1  }
0xc0: {  	_ =	sfence.sel $0xFFFF  }
0xc1: {  	[dreg:$0x0] =	wrdreg $0xFFFFFFFF;
	(pc) =	sbr.abs _section_cstart, $3  }
0xc2: {  	[dreg:$0x1] =	wrdreg $0xFFFFFFFF  }
0xc3: {  	_ =	task.clear_ibuf [dreg:s7], $0x2FFFF;
	_ =	strace $0x9FFFFFFF  }
0xc4: {  	(tm) =	ssettm $0x7FFFFFFF  }
0xc5: {  	_ =	shalt  }
tec
execute0_lowered:
.L_overlay_start_1:
0x0: {  	(tag) =	ssettag $0x1  }
0x1: {  	s1 =	rddreg [dreg:$0x0]  }
0x2: {  	s0 =	rddreg [dreg:$0x1]  }
0x3: {  	s2 =	rddreg [dreg:$0x2]  }
0x4: {  	s3 =	rddreg [dreg:$0x3];
	s4 =	srdreg.scid;
	s6 =	simm.s32 $0x0  }
0x5: {  	s12 =	stileid.u32;
	s28 =	simm.s32 $0x5;
	s29 =	simm.s32 $0xADC0  }
0x6: {  	s30 =	simm.s32 $0xFA0;
	s31 =	simm.s32 $0x7D0;
	s4 =	sand.u32 $0x1, s4  }
0x7: {  	[smem:$0x7FF] =	sst s6;
	s26 =	smul.u32 $0x13880, s12;
	s7 =	sadd.s32 $0x14E00, s0  }
0x8: {  	s9 =	smul.u32 $0x4E200, s12;
	s10 =	sadd.s32 $0x15400, s0;
	s25 =	sadd.s32 $0x7D0, s3  }
0x9: {  	p0 =	sne.s32 s12, $0x0;
	s6 =	simm.s32 $0x2;
	s5 =	smul.u32 $0x138800, s4  }
0xa: {  	_ =	strace $0x80000047;
	[dreg:$0x5] =	wrdreg s7;
	s8 =	smul.u32 $0x4E2, s4  }
0xb: {  	s7 =	sadd.s32 $0x1400, s0;
	[dreg:$0x6] =	wrdreg s10;
	s13 =	ssub.s32 $0x2, s4  }
0xc: {  	s4 =	sshll.u32 s4, $0x4;
	[dreg:$0x11] =	wrdreg s25;
	s10 =	simm.s32 $0x4  }
0xd: {  	s9 =	sshrl.u32 s9, $0x2;
	s14 =	sshrl.u32 s13, $0x1;
	s4 =	sor.u32 s12, s4  }
0xe: {  	s17 =	sadd.s32 s26, s2;
	s12 =	simm.s32 $0x86B0;
	s5 =	sadd.s32 s26, s5  }
0xf: {  	s9 =	sadd.s32 s9, s2;
	s11 =	smul.u32 $0x2710, s4;
	s26 =	sadd.s32 $0xFA0, s3  }
0x10: {  	s25 =	sshrl.u32 s17, $0x3;
	s15 =	sadd.s32 $0x11800, s9;
	[dreg:$0x12] =	wrdreg s26  }
0x11: {  	s4 =	simm.s32 $0x1;
	s19 =	sadd.s32 $0x2800, s9;
	[dreg:$0x7] =	wrdreg s15  }
0x12: {  	s5 =	sshrl.u32 s5, $0x3;
	s20 =	sadd.s32 $0x5000, s9;
	[dreg:$0xb] =	wrdreg s19  }
0x13: {  	s21 =	sadd.s32 $0x7800, s9;
	s22 =	sadd.s32 $0xA000, s9;
	[dreg:$0xc] =	wrdreg s20  }
0x14: {  	s23 =	sadd.s32 $0xC800, s9;
	s24 =	sadd.s32 $0xF000, s9;
	[dreg:$0xd] =	wrdreg s21  }
0x15: {  	s26 =	simm.s32 $0x5FA0;
	s5 =	sadd.s32 s5, s0;
	[dreg:$0xe] =	wrdreg s22  }
0x16: {  	s0 =	sadd.s32 s8, s0;
	s8 =	ssub.s32 s13, s14;
	[dreg:$0xf] =	wrdreg s23  }
0x17: {  	[dreg:$0x10] =	wrdreg s24;
	s23 =	sadd.s32 $0x1770, s3;
	s24 =	sadd.s32 $0x1F40, s3  }
0x18: {  	s13 =	simm.s32 $0xF50;
	s14 =	simm.s32 $0x7D;
	s16 =	sadd.s32 $0x16000, s5  }
0x19: {  	s15 =	simm.s32 $0x0;
	s0 =	sadd.s32 $0x15600, s0;
	[dreg:$0x8] =	wrdreg s16  }
0x1a: {  	s18 =	smax.u32 s8, $0x1;
	s5 =	simm.s32 $0x37A0;
	[dreg:$0x9] =	wrdreg s0  }
0x1b: {  	v0 =	vimm.f32 $0.0e+00;
	s8 =	simm.s32 $0x3;
	[dreg:$0xa] =	wrdreg s18;
	s0 =	simm.s32 $0x50  }
.LBB2_1:
0x1c: {  	s16 =	simm.s32 $0x0;
	s17 =	rddreg [dreg:$0x5]  }
0x1d: {  	[tilespmem:s26], [sflag:$0x5] =	stream.linear.gather [hbm4b:s17+s16], $0x2710, $0x38;
	[tilespmem:$0x1EB38] =	vst v63  }
0x1e: {  	_ =	swait.ge [sflag:s28], $0x2710  }
0x1f: {  	[sflag:s28] =	ssyncset.done $0x0  }
0x20: {  	s22 =	rddreg [dreg:$0x6];
	[sflag:s28] =	ssyncadd.s32 $0xFFFFD8F0  }
0x21: {  	[tilespmem:s29], [sflag:$0x5] =	stream.linear.gather [hbm4b:s22+s16], $0x280, $0x38;
	[tilespmem:$0x1EB38] =	vst v63  }
0x22: {  	_ =	swait.ge [sflag:s28], $0x280  }
0x23: {  	[sflag:s28] =	ssyncset.done $0x0  }
0x24: {  	s16 =	simm.s32 $0x0;
	[sflag:s28] =	ssyncadd.s32 $0xFFFFFD80  }
.LBB2_2:
0x25: {  	p1 =	sne.s32 s16, $0x9C00  }
.Ltmp0:
0x26: {  	_ = 	snop;
	(pc) =	sbr.rel @p1 .LBB2_2-.Ltmp0, $3  }
0x27: {  	_ =	sdelay $0x1  }
0x28: {  	s17 =	sshra.s32 s16, $0x2  }
0x29: {  	s16 =	sadd.s32 $0x40, s16;
	[tilespmem:s17+$0x86B0] =	vst v0  }
0x2a: {  	s16 =	simm.s32 $0x70;
	s17 =	simm.s32 $0x3C0  }
.LBB2_4:
0x2b: {  	p1 =	sne.s32 s17, $0x9FC0;
	[tilespmem:s16+$0xFA0] =	vst v0  }
0x2c: {  	[tilespmem:s16+$0xF30] =	vst v0  }
0x2d: {  	[tilespmem:s16+$0xF40] =	vst v0  }
.Ltmp1:
0x2e: {  	[tilespmem:s16+$0xF50] =	vst v0;
	(pc) =	sbr.rel @p1 .LBB2_4-.Ltmp1, $4  }
0x2f: {  	[tilespmem:s16+$0xF60] =	vst v0  }
0x30: {  	[tilespmem:s16+$0xF70] =	vst v0  }
0x31: {  	[tilespmem:s16+$0xF80] =	vst v0  }
0x32: {  	[tilespmem:s16+$0xF90] =	vst v0;
	s16 =	sshra.s32 s17, $0x2;
	s17 =	sadd.s32 $0x200, s17  }
0x33: {  	[tilespmem:s16+$0xFA0] =	vst v0  }
0x34: {  	[tilespmem:s16+$0xF30] =	vst v0  }
0x35: {  	[tilespmem:s16+$0xF40] =	vst v0  }
0x36: {  	[tilespmem:s16+$0xF50] =	vst v0  }
0x37: {  	[tilespmem:s16+$0xF60] =	vst v0  }
0x38: {  	[tilespmem:s16+$0xF70] =	vst v0  }
0x39: {  	[tilespmem:s16+$0xF80] =	vst v0  }
0x3a: {  	[tilespmem:s16+$0xF90] =	vst v0  }
0x3b: {  	[spmem:s9] =	stream.linear.scatter [tilespmem:s30], [sflag:$0x5], $0x2800, $0x38;
	[tilespmem:$0x1EB38] =	vst v63  }
0x3c: {  	_ =	swait.ge [sflag:s28], $0x2800  }
0x3d: {  	[sflag:s28] =	ssyncset.done $0x0  }
0x3e: {  	s22 =	rddreg [dreg:$0xb];
	[sflag:s28] =	ssyncadd.s32 $0xFFFFD800  }
0x3f: {  	[spmem:s22] =	stream.linear.scatter [tilespmem:s30], [sflag:$0x5], $0x2800, $0x38;
	[tilespmem:$0x1EB38] =	vst v63  }
0x40: {  	_ =	swait.ge [sflag:s28], $0x2800  }
0x41: {  	[sflag:s28] =	ssyncset.done $0x0  }
0x42: {  	s17 =	rddreg [dreg:$0xc];
	[sflag:s28] =	ssyncadd.s32 $0xFFFFD800  }
0x43: {  	[spmem:s17] =	stream.linear.scatter [tilespmem:s30], [sflag:$0x5], $0x2800, $0x38;
	[tilespmem:$0x1EB38] =	vst v63  }
0x44: {  	_ =	swait.ge [sflag:s28], $0x2800  }
0x45: {  	[sflag:s28] =	ssyncset.done $0x0  }
0x46: {  	s18 =	rddreg [dreg:$0xd];
	[sflag:s28] =	ssyncadd.s32 $0xFFFFD800  }
0x47: {  	[spmem:s18] =	stream.linear.scatter [tilespmem:s30], [sflag:$0x5], $0x2800, $0x38;
	[tilespmem:$0x1EB38] =	vst v63  }
0x48: {  	_ =	swait.ge [sflag:s28], $0x2800  }
0x49: {  	[sflag:s28] =	ssyncset.done $0x0  }
0x4a: {  	s19 =	rddreg [dreg:$0xe];
	[sflag:s28] =	ssyncadd.s32 $0xFFFFD800  }
0x4b: {  	[spmem:s19] =	stream.linear.scatter [tilespmem:s30], [sflag:$0x5], $0x2800, $0x38;
	[tilespmem:$0x1EB38] =	vst v63  }
0x4c: {  	_ =	swait.ge [sflag:s28], $0x2800  }
0x4d: {  	[sflag:s28] =	ssyncset.done $0x0  }
0x4e: {  	s20 =	rddreg [dreg:$0xf];
	[sflag:s28] =	ssyncadd.s32 $0xFFFFD800  }
0x4f: {  	[spmem:s20] =	stream.linear.scatter [tilespmem:s30], [sflag:$0x5], $0x2800, $0x38;
	[tilespmem:$0x1EB38] =	vst v63  }
0x50: {  	_ =	swait.ge [sflag:s28], $0x2800  }
0x51: {  	[sflag:s28] =	ssyncset.done $0x0  }
0x52: {  	s21 =	rddreg [dreg:$0x10];
	[sflag:s28] =	ssyncadd.s32 $0xFFFFD800  }
0x53: {  	[spmem:s21] =	stream.linear.scatter [tilespmem:s30], [sflag:$0x5], $0x2800, $0x38;
	[tilespmem:$0x1EB38] =	vst v63  }
0x54: {  	_ =	swait.ge [sflag:s28], $0x2800  }
0x55: {  	[sflag:s28] =	ssyncset.done $0x0  }
0x56: {  	s22 =	rddreg [dreg:$0x7];
	[sflag:s28] =	ssyncadd.s32 $0xFFFFD800  }
0x57: {  	[spmem:s22] =	stream.linear.scatter [tilespmem:s30], [sflag:$0x5], $0x2080, $0x38;
	[tilespmem:$0x1EB38] =	vst v63  }
0x58: {  	_ =	swait.ge [sflag:s28], $0x2080  }
0x59: {  	[sflag:s28] =	ssyncset.done $0x0  }
0x5a: {  	s16 =	simm.s32 @!p0 $0x86B0;
	s17 =	simm.s32 @!p0 $0x5;
	[sflag:s28] =	ssyncadd.s32 $0xFFFFDF80  }
0x5b: {  	[spmem:s3] =	stream.linear.scatter @!p0 [tilespmem:s16], [sflag:$0x5], $0x7D0, $0x38;
	[tilespmem:$0x1EB38] =	vst v63  }
0x5c: {  	_ =	swait.ge @!p0 [sflag:s17], $0x7D0  }
0x5d: {  	[sflag:s17] =	ssyncset.done @!p0 $0x0  }
0x5e: {  	s18 =	rddreg [dreg:$0x11];
	[sflag:s17] =	ssyncadd.s32 @!p0 $0xFFFFF830  }
0x5f: {  	[spmem:s18] =	stream.linear.scatter @!p0 [tilespmem:s16], [sflag:$0x5], $0x7D0, $0x38;
	[tilespmem:$0x1EB38] =	vst v63  }
0x60: {  	_ =	swait.ge @!p0 [sflag:s17], $0x7D0  }
0x61: {  	[sflag:s17] =	ssyncset.done @!p0 $0x0  }
0x62: {  	s18 =	rddreg [dreg:$0x12];
	[sflag:s17] =	ssyncadd.s32 @!p0 $0xFFFFF830  }
0x63: {  	[spmem:s18] =	stream.linear.scatter @!p0 [tilespmem:s16], [sflag:$0x5], $0x7D0, $0x38;
	[tilespmem:$0x1EB38] =	vst v63  }
0x64: {  	_ =	swait.ge @!p0 [sflag:s17], $0x7D0  }
0x65: {  	[sflag:s17] =	ssyncset.done @!p0 $0x0  }
0x66: {  	[sflag:s17] =	ssyncadd.s32 @!p0 $0xFFFFF830  }
0x67: {  	[spmem:s23] =	stream.linear.scatter @!p0 [tilespmem:s16], [sflag:$0x5], $0x7D0, $0x38;
	[tilespmem:$0x1EB38] =	vst v63  }
0x68: {  	_ =	swait.ge @!p0 [sflag:s17], $0x7D0  }
0x69: {  	[sflag:s17] =	ssyncset.done @!p0 $0x0  }
0x6a: {  	[sflag:s17] =	ssyncadd.s32 @!p0 $0xFFFFF830  }
0x6b: {  	[spmem:s24] =	stream.linear.scatter @!p0 [tilespmem:s16], [sflag:$0x5], $0x7D0, $0x38;
	[tilespmem:$0x1EB38] =	vst v63  }
0x6c: {  	_ =	swait.ge @!p0 [sflag:s17], $0x7D0  }
0x6d: {  	[sflag:s17] =	ssyncset.done @!p0 $0x0  }
0x6e: {  	[sflag:s17] =	ssyncadd.s32 @!p0 $0xFFFFF830  }
0x6f: {  	s16 =	simm.s32 $0x0;
	s17 =	simm.s32 $0x0;
	[bflag:$0x0] =	sbarrier.arrive $0xFFFF  }
.LBB2_6:
0x70: {  	s18 =	smul.u32 $0x7D0, s17;
	_ =	sdelay $0x1  }
0x71: {  	s18 =	sadd.s32 s11, s18  }
0x72: {  	s18 =	sshrl.u32 s18, $0x3  }
0x73: {  	s18 =	sadd.s32 s7, s18  }
0x74: {  	[tilespmem:s16], [sflag:$0x5] =	stream.linear.gather [hbm4b:s18+s16], $0x7D0, $0x38;
	[tilespmem:$0x1EB38] =	vst v63  }
0x75: {  	_ =	swait.ge [sflag:s28], $0x7D0  }
0x76: {  	[sflag:s28] =	ssyncset.done $0x0  }
0x77: {  	s18 =	sadd.s32 $0x9C40, s18;
	[sflag:s28] =	ssyncadd.s32 $0xFFFFF830  }
0x78: {  	[tilespmem:s31], [sflag:$0x5] =	stream.linear.gather [hbm4b:s18+s16], $0x7D0, $0x38;
	[tilespmem:$0x1EB38] =	vst v63  }
0x79: {  	_ =	swait.ge [sflag:s28], $0x7D0  }
0x7a: {  	[sflag:s28] =	ssyncset.done $0x0  }
0x7b: {  	[sflag:s28] =	ssyncadd.s32 $0xFFFFF830  }
0x7c: {  	[tilespmem:s30], [sflag:$0x1] =	stream.indirect.gather [hbm4b:s1+s0], $0x80, s16, s0, $0xb8;
	[tilespmem:$0x1EB38] =	vst v63  }
0x7d: {  	s18 =	simm.s32 $0x0  }
0x7e: {  	[tilespmem:s5], [sflag:$0x2] =	stream.indirect.gather [hbm4b:s1+s0], $0x80, s0, s0, $0xb8;
	[tilespmem:$0x1EB38] =	vst v63  }
.LBB2_7:
0x7f: {  	_ =	swait.ge [sflag:s4], $0x2800  }
0x80: {  	s19 =	sshra.s32 s18, $0x2;
	[sflag:s4] =	ssyncset.done $0x0  }
0x81: {  	s20 =	sadd.s32 $0x7D0, s19;
	[sflag:s4] =	ssyncadd.s32 $0xFFFFD800  }
0x82: {  	[spmem:s2] =	stream.indirect.scatter.add.f32 [tilespmem:s30], [sflag:$0x3], $0x80, s20, s0, $0xb8;
	[tilespmem:$0x1EB38] =	vst v63  }
0x83: {  	_ =	swait.ge [sflag:s6], $0x2800  }
0x84: {  	[sflag:s6] =	ssyncset.done $0x0  }
0x85: {  	s21 =	sadd.s32 $0x820, s19;
	[sflag:s6] =	ssyncadd.s32 $0xFFFFD800  }
0x86: {  	[spmem:s2] =	stream.indirect.scatter.add.f32 [tilespmem:s5], [sflag:$0x4], $0x80, s21, s0, $0xb8;
	[tilespmem:$0x1EB38] =	vst v63  }
0x87: {  	_ =	swait.ge [sflag:s8], $0x2800  }
0x88: {  	[sflag:s8] =	ssyncset.done $0x0  }
0x89: {  	p1 =	seq.s32 s18, $0x1B80;
	s22 =	sadd.s32 $0xA0, s19;
	[sflag:s8] =	ssyncadd.s32 $0xFFFFD800  }
0x8a: {  	[tilespmem:s30], [sflag:$0x1] =	stream.indirect.gather [hbm4b:s1+s0], $0x80, s22, s0, $0xb8;
	[tilespmem:$0x1EB38] =	vst v63  }
0x8b: {  	s20 =	sshra.s32 @!p1 s18, $0x2;
	_ =	swait.ge [sflag:s10], $0x2800  }
0x8c: {  	s20 =	sadd.s32 @!p1 $0xF0, s20;
	[sflag:s10] =	ssyncset.done $0x0  }
0x8d: {  	s21 =	simm.s32 @!p1 $0x50;
	s22 =	simm.s32 @!p1 $0x37A0;
	[sflag:s10] =	ssyncadd.s32 $0xFFFFD800  }
0x8e: {  	[tilespmem:s22], [sflag:$0x2] =	stream.indirect.gather @!p1 [hbm4b:s1+s21], $0x80, s20, s21, $0xb8;
	[tilespmem:$0x1EB38] =	vst v63  }
0x8f: {  	v1 =	vld [tilespmem:s19+$0x0];
	_ =	sdelay $0x4  }
0x90: {  	v2 =	vld [tilespmem:s19+$0x7D0];
	_ =	sdelay $0x2  }
0x91: {  	v1 =	vld.idx.msk [tilespmem:v1+s26+$0x0], $0xffff;
	_ =	sdelay $0x4  }
0x92: {  	[tilespmem:v2+s12+$0x0] =	vst.idx.add.f32.msk $0xffff, v1  }
0x93: {  	v1 =	vld [tilespmem:s19+$0x10];
	_ =	sdelay $0x4  }
0x94: {  	v2 =	vld [tilespmem:s19+$0x7E0];
	_ =	sdelay $0x2  }
0x95: {  	v1 =	vld.idx.msk [tilespmem:v1+s26+$0x0], $0xffff;
	_ =	sdelay $0x4  }
0x96: {  	[tilespmem:v2+s12+$0x0] =	vst.idx.add.f32.msk $0xffff, v1  }
0x97: {  	v1 =	vld [tilespmem:s19+$0x20];
	_ =	sdelay $0x4  }
0x98: {  	v2 =	vld [tilespmem:s19+$0x7F0];
	_ =	sdelay $0x2  }
0x99: {  	v1 =	vld.idx.msk [tilespmem:v1+s26+$0x0], $0xffff;
	_ =	sdelay $0x4  }
0x9a: {  	[tilespmem:v2+s12+$0x0] =	vst.idx.add.f32.msk $0xffff, v1  }
0x9b: {  	v1 =	vld [tilespmem:s19+$0x30];
	_ =	sdelay $0x4  }
0x9c: {  	v2 =	vld [tilespmem:s19+$0x800];
	_ =	sdelay $0x2  }
0x9d: {  	v1 =	vld.idx.msk [tilespmem:v1+s26+$0x0], $0xffff;
	_ =	sdelay $0x4  }
0x9e: {  	[tilespmem:v2+s12+$0x0] =	vst.idx.add.f32.msk $0xffff, v1  }
0x9f: {  	v1 =	vld [tilespmem:s19+$0x40];
	_ =	sdelay $0x4  }
0xa0: {  	v2 =	vld [tilespmem:s19+$0x810];
	_ =	sdelay $0x2  }
0xa1: {  	v1 =	vld.idx.msk [tilespmem:v1+s26+$0x0], $0xffff;
	_ =	sdelay $0x4  }
0xa2: {  	[tilespmem:v2+s12+$0x0] =	vst.idx.add.f32.msk $0xffff, v1  }
0xa3: {  	v1 =	vld [tilespmem:s19+$0x50];
	_ =	sdelay $0x4  }
0xa4: {  	v2 =	vld [tilespmem:s19+$0x820];
	_ =	sdelay $0x2  }
0xa5: {  	v1 =	vld.idx.msk [tilespmem:v1+s26+$0x0], $0xffff;
	_ =	sdelay $0x4  }
0xa6: {  	[tilespmem:v2+s12+$0x0] =	vst.idx.add.f32.msk $0xffff, v1  }
0xa7: {  	v1 =	vld [tilespmem:s19+$0x60];
	_ =	sdelay $0x4  }
0xa8: {  	v2 =	vld [tilespmem:s19+$0x830];
	_ =	sdelay $0x2  }
0xa9: {  	v1 =	vld.idx.msk [tilespmem:v1+s26+$0x0], $0xffff;
	_ =	sdelay $0x4  }
0xaa: {  	[tilespmem:v2+s12+$0x0] =	vst.idx.add.f32.msk $0xffff, v1  }
0xab: {  	v1 =	vld [tilespmem:s19+$0x70];
	_ =	sdelay $0x4  }
0xac: {  	v2 =	vld [tilespmem:s19+$0x840];
	_ =	sdelay $0x2  }
0xad: {  	v1 =	vld.idx.msk [tilespmem:v1+s26+$0x0], $0xffff;
	_ =	sdelay $0x4  }
0xae: {  	[tilespmem:v2+s12+$0x0] =	vst.idx.add.f32.msk $0xffff, v1  }
0xaf: {  	v1 =	vld [tilespmem:s19+$0x80];
	_ =	sdelay $0x4  }
0xb0: {  	v2 =	vld [tilespmem:s19+$0x850];
	_ =	sdelay $0x2  }
0xb1: {  	v1 =	vld.idx.msk [tilespmem:v1+s26+$0x0], $0xffff;
	_ =	sdelay $0x4  }
0xb2: {  	[tilespmem:v2+s12+$0x0] =	vst.idx.add.f32.msk $0xffff, v1  }
0xb3: {  	v1 =	vld [tilespmem:s19+$0x90];
	_ =	sdelay $0x4  }
0xb4: {  	v2 =	vld [tilespmem:s19+$0x860];
	_ =	sdelay $0x1  }
0xb5: {  	s18 =	sadd.s32 $0x280, s18  }
0xb6: {  	p1 =	sne.s32 s18, $0x1E00;
	v1 =	vld.idx.msk [tilespmem:v1+s26+$0x0], $0xffff  }
.Ltmp2:
0xb7: {  	_ = 	snop;
	(pc) =	sbr.rel @p1 .LBB2_7-.Ltmp2, $2  }
0xb8: {  	_ =	sdelay $0x2  }
0xb9: {  	[tilespmem:v2+s12+$0x0] =	vst.idx.add.f32.msk $0xffff, v1  }
0xba: {  	_ =	swait.ge [sflag:s4], $0x2800  }
0xbb: {  	[sflag:s4] =	ssyncset.done $0x0  }
0xbc: {  	[sflag:s4] =	ssyncadd.s32 $0xFFFFD800  }
0xbd: {  	[spmem:s2] =	stream.indirect.scatter.add.f32 [tilespmem:s30], [sflag:$0x5], $0x80, s13, s0, $0xb8;
	[tilespmem:$0x1EB38] =	vst v63  }
0xbe: {  	_ =	swait.ge [sflag:s28], $0x2800  }
0xbf: {  	[sflag:s28] =	ssyncset.done $0x0  }
0xc0: {  	[sflag:s28] =	ssyncadd.s32 $0xFFFFD800  }
0xc1: {  	v1 =	vld [tilespmem:$0x780];
	_ =	sdelay $0x4  }
0xc2: {  	v2 =	vld [tilespmem:$0xF50];
	_ =	sdelay $0x2  }
0xc3: {  	v1 =	vld.idx.msk [tilespmem:v1+s26+$0x0], $0xffff;
	_ =	sdelay $0x4  }
0xc4: {  	[tilespmem:v2+s12+$0x0] =	vst.idx.add.f32.msk $0xffff, v1  }
0xc5: {  	v1 =	vld [tilespmem:$0x790];
	_ =	sdelay $0x4  }
0xc6: {  	v2 =	vld [tilespmem:$0xF60];
	_ =	sdelay $0x2  }
0xc7: {  	v1 =	vld.idx.msk [tilespmem:v1+s26+$0x0], $0xffff;
	_ =	sdelay $0x4  }
0xc8: {  	[tilespmem:v2+s12+$0x0] =	vst.idx.add.f32.msk $0xffff, v1  }
0xc9: {  	v1 =	vld [tilespmem:$0x7A0];
	_ =	sdelay $0x4  }
0xca: {  	v2 =	vld [tilespmem:$0xF70];
	_ =	sdelay $0x2  }
0xcb: {  	v1 =	vld.idx.msk [tilespmem:v1+s26+$0x0], $0xffff;
	_ =	sdelay $0x4  }
0xcc: {  	[tilespmem:v2+s12+$0x0] =	vst.idx.add.f32.msk $0xffff, v1  }
0xcd: {  	v1 =	vld [tilespmem:$0x7B0];
	_ =	sdelay $0x4  }
0xce: {  	v2 =	vld [tilespmem:$0xF80];
	_ =	sdelay $0x2  }
0xcf: {  	v1 =	vld.idx.msk [tilespmem:v1+s26+$0x0], $0xffff;
	_ =	sdelay $0x4  }
0xd0: {  	[tilespmem:v2+s12+$0x0] =	vst.idx.add.f32.msk $0xffff, v1  }
0xd1: {  	v1 =	vld [tilespmem:$0x7C0];
	_ =	sdelay $0x4  }
0xd2: {  	v2 =	vld [tilespmem:$0xF90];
	_ =	sdelay $0x1  }
0xd3: {  	s17 =	sadd.s32 $0x1, s17  }
0xd4: {  	p1 =	sne.s32 s17, $0x5;
	v1 =	vld.idx.msk [tilespmem:v1+s26+$0x0], $0xffff  }
.Ltmp3:
0xd5: {  	_ = 	snop;
	(pc) =	sbr.rel @p1 .LBB2_6-.Ltmp3, $2  }
0xd6: {  	_ =	sdelay $0x2  }
0xd7: {  	[tilespmem:v2+s12+$0x0] =	vst.idx.add.f32.msk $0xffff, v1  }
0xd8: {  	[spmem:s3] =	stream.indirect.scatter.add.f32 [tilespmem:s12], [sflag:$0x5], $0x10, s29, s14, $0xb8;
	[tilespmem:$0x1EB38] =	vst v63  }
0xd9: {  	_ =	swait.ge [sflag:s28], $0x7D0  }
0xda: {  	[sflag:s28] =	ssyncset.done $0x0  }
0xdb: {  	s16 =	simm.s32 $0xAE40;
	s17 =	simm.s32 $0x8E80;
	[sflag:s28] =	ssyncadd.s32 $0xFFFFF830  }
0xdc: {  	[spmem:s3] =	stream.indirect.scatter.add.f32 [tilespmem:s17], [sflag:$0x5], $0x10, s16, s14, $0xb8;
	[tilespmem:$0x1EB38] =	vst v63  }
0xdd: {  	_ =	swait.ge [sflag:s28], $0x7D0  }
0xde: {  	[sflag:s28] =	ssyncset.done $0x0  }
0xdf: {  	s19 =	simm.s32 $0xAEC0;
	s20 =	simm.s32 $0x9650;
	[sflag:s28] =	ssyncadd.s32 $0xFFFFF830  }
0xe0: {  	[spmem:s3] =	stream.indirect.scatter.add.f32 [tilespmem:s20], [sflag:$0x5], $0x10, s19, s14, $0xb8;
	[tilespmem:$0x1EB38] =	vst v63  }
0xe1: {  	_ =	swait.ge [sflag:s28], $0x7D0  }
0xe2: {  	[sflag:s28] =	ssyncset.done $0x0  }
0xe3: {  	s21 =	simm.s32 $0xAF40;
	s22 =	simm.s32 $0x9E20;
	[sflag:s28] =	ssyncadd.s32 $0xFFFFF830  }
0xe4: {  	[spmem:s3] =	stream.indirect.scatter.add.f32 [tilespmem:s22], [sflag:$0x5], $0x10, s21, s14, $0xb8;
	[tilespmem:$0x1EB38] =	vst v63  }
0xe5: {  	_ =	swait.ge [sflag:s28], $0x7D0  }
0xe6: {  	[sflag:s28] =	ssyncset.done $0x0  }
0xe7: {  	s18 =	simm.s32 $0xAFC0;
	s19 =	simm.s32 $0xA5F0;
	[sflag:s28] =	ssyncadd.s32 $0xFFFFF830  }
0xe8: {  	[spmem:s3] =	stream.indirect.scatter.add.f32 [tilespmem:s19], [sflag:$0x5], $0x10, s18, s14, $0xb8;
	[tilespmem:$0x1EB38] =	vst v63  }
0xe9: {  	_ =	swait.ge [sflag:s28], $0x7D0  }
0xea: {  	[sflag:s28] =	ssyncset.done $0x0  }
0xeb: {  	s20 =	stileid.u32;
	[sflag:s28] =	ssyncadd.s32 $0xFFFFF830  }
0xec: {  	s16 =	sshll.u32 s20, $0x6;
	[bflag:$0x0] =	sbarrier.arrive $0xFFFF  }
0xed: {  	s16 =	sor.u32 $0x1C05, s16;
	s21 =	rddreg [dreg:$0x8]  }
0xee: {  	[hbm:s21], [sflag:s16] =	dma.local [spmem:s25], $0x2710  }
0xef: {  	_ =	swait.ge [sflag:s28], $0x2710  }
0xf0: {  	[sflag:s28] =	ssyncset.done $0x0  }
0xf1: {  	s17 =	sshrl.u32 @!p0 s3, $0x3;
	s18 =	rddreg [dreg:$0x9];
	[sflag:s28] =	ssyncadd.s32 $0xFFFFD8F0  }
0xf2: {  	[hbm:s18], [sflag:s16] =	dma.local @!p0 [spmem:s17], $0x4E2  }
0xf3: {  	s16 =	simm.s32 @!p0 $0x5  }
0xf4: {  	_ =	swait.ge @!p0 [sflag:s16], $0x4E2  }
0xf5: {  	s15 =	sadd.s32 $0x1, s15;
	s22 =	rddreg [dreg:$0xa]  }
0xf6: {  	p1 =	sne.s32 s15, s22  }
.Ltmp4:
0xf7: {  	_ = 	snop;
	(pc) =	sbr.rel @p1 .LBB2_1-.Ltmp4, $3  }
0xf8: {  	_ =	sdelay $0x1  }
0xf9: {  	[sflag:s16] =	ssyncset.done @!p0 $0x0  }
0xfa: {  	[sflag:s16] =	ssyncadd.s32 @!p0 $0xFFFFFB1E  }
0xfb: {  	_ =	sfence.sel $0x180000  }
0xfc: {  	[bflag:$0x0] =	sbarrier.arrive $0xFFFF  }
0xfd: {  	_ =	strace $0x90000047  }
0xfe: {  	[bflag:$0x2] =	sbarrier.arrive $0xFFFF  }
0xff: {  	s0 =	rddreg [dreg:$0x4]  }
0x100: {  	s0 =	sadd.s32 @!p0 $0x100000, s0  }
0x101: {  	[sflag:s0] =	ssyncadd.tile.s32 @!p0 $0x1;
	_ =	shalt  }
.Lfunc_end2:
_tile_overlayer_lowered:
.L_overlay_start_2:
0x102: {  	(tag) =	ssettag $0x2  }
0x103: {  	s0 =	rddreg [dreg:$0x0];
	s2 =	stileid.u32  }
0x104: {  	s1 =	rddreg [dreg:$0x1];
	p0 =	sne.s32 s2, $0x0  }
0x105: {  	s3 =	rddreg [dreg:$0x2];
	[bflag:$0x3] =	sbarrier.arrive $0xFFFF;
	s2 =	simm.s32 @!p0 $0x1C05  }
0x106: {  	[timem:s3], [sflag:s2] =	dma.local @!p0 [hbm:s0], s1  }
0x107: {  	s0 =	simm.s32 @!p0 $0x5  }
0x108: {  	_ =	swait.ge @!p0 [sflag:s0], s1  }
0x109: {  	s1 =	ssub.s32 @!p0 $0x0, s1;
	[sflag:s0] =	ssyncset.done @!p0 $0x0  }
0x10a: {  	[sflag:s0] =	ssyncadd.s32 @!p0 s1  }
0x10b: {  	[bflag:$0x3] =	sbarrier.arrive $0xFFFF  }
0x10c: {  	_ =	shalt  }

</sc_bundles>
